<compile_context>
chip_gen: v7x
topology: tpu7x:2x2x1
jax: 0.10.2.dev20260603
libtpu: 0.0.44.dev20260713+nightly
codegen_flags: <defaults>
</compile_context>

<pallas_src>
import functools

import jax
import jax.numpy as jnp
from jax import lax
from jax.experimental import pallas as pl
from jax.experimental.pallas import tpu as pltpu
from jax.experimental.pallas import tpu_sc as plsc

DIM = 64
NC = 2
NS = 16
NW = NC * NS
LANES = 16

GATHER_CHUNK = 1024
TR_COLS = 32768
FMT_ROWS = 8192


def _tc_transform(tableT, W_down, W_up, vocab):

    def tr_kernel(tt_ref, wd_ref, wu_ref, out_ref):
        wc = jnp.dot(wu_ref[...], wd_ref[...],
                     preferred_element_type=jnp.float32)
        h = TR_COLS // 2
        z_lo = lax.dot_general(tt_ref[:, 0:h], wc, (((0,), (1,)), ((), ())),
                               preferred_element_type=jnp.float32)
        out_ref[0, :, 0:DIM] = z_lo
        z_hi = lax.dot_general(tt_ref[:, h:], wc, (((0,), (1,)), ((), ())),
                               preferred_element_type=jnp.float32)
        out_ref[0, :, DIM:128] = z_hi

    grid = (vocab + TR_COLS - 1) // TR_COLS
    return pl.pallas_call(
        tr_kernel,
        grid=(grid,),
        in_specs=[
            pl.BlockSpec((DIM, TR_COLS), lambda i: (0, i)),
            pl.BlockSpec((DIM // 2, DIM), lambda i: (0, 0)),
            pl.BlockSpec((DIM, DIM // 2), lambda i: (0, 0)),
        ],
        out_specs=pl.BlockSpec((1, TR_COLS // 2, 128), lambda i: (i, 0, 0)),
        out_shape=jax.ShapeDtypeStruct((grid, TR_COLS // 2, 128), jnp.float32),
        compiler_params=pltpu.CompilerParams(
            fuse_transposed_lhs_in_matmul=True,
            vmem_limit_bytes=56 * 1024 * 1024,
        ),
    )(tableT, W_down, W_up)


def _sc_gather(src, flat_idx, n, B):
    half = B // 2
    pairs = n // 2
    per_w = pairs // NW
    chunk = min(GATHER_CHUNK // 2, per_w)
    n_chunks = per_w // chunk
    mesh = plsc.VectorSubcoreMesh(
        core_axis_name="c", subcore_axis_name="s",
        num_cores=NC, num_subcores=NS)

    @functools.partial(
        pl.kernel,
        out_type=jax.ShapeDtypeStruct((pairs, 2 * DIM), jnp.float32),
        mesh=mesh,
        scratch_types=[
            pltpu.VMEM((chunk,), jnp.int32),
            pltpu.VMEM((chunk,), jnp.int32),
            pltpu.VMEM((chunk, DIM), jnp.float32),
            pltpu.VMEM((chunk, DIM), jnp.float32),
            pltpu.SemaphoreType.DMA,
            pltpu.SemaphoreType.DMA,
            pltpu.SemaphoreType.DMA,
            pltpu.SemaphoreType.DMA,
        ],
        compiler_params=pltpu.CompilerParams(use_tc_tiling_on_sc=False),
    )
    def gather_kernel(src_hbm, idx_hbm, out_hbm,
                      idx_a, idx_b, rows_a, rows_b,
                      sem_a, sem_b, osem_a, osem_b):
        wid = lax.axis_index("s") * NC + lax.axis_index("c")
        base = wid * per_w

        def out_slot(m0, lane0):
            return out_hbm.at[pl.ds(m0, chunk), pl.ds(lane0, DIM)]

        def body(i, carry):
            m0 = pl.multiple_of(base + i * chunk, chunk)
            l = m0 >> 13
            u0 = m0 - (l << 13)
            pos = pl.multiple_of((l << 14) + u0, chunk)
            pltpu.sync_copy(idx_hbm.at[pl.ds(pos, chunk)], idx_a)
            pltpu.sync_copy(idx_hbm.at[pl.ds(pos + half, chunk)], idx_b)

            @pl.when(i > 0)
            def _():
                pltpu.make_async_copy(rows_a, out_slot(m0, 0), osem_a).wait()
                pltpu.make_async_copy(rows_b, out_slot(m0, DIM), osem_b).wait()

            ca = pltpu.async_copy(src_hbm.at[idx_a], rows_a, sem_a)
            cb = pltpu.async_copy(src_hbm.at[idx_b], rows_b, sem_b)
            ca.wait()
            pltpu.async_copy(rows_a, out_slot(m0, 0), osem_a)
            cb.wait()
            pltpu.async_copy(rows_b, out_slot(m0, DIM), osem_b)
            return carry

        lax.fori_loop(0, n_chunks, body, 0)
        last = pl.multiple_of(base + (n_chunks - 1) * chunk, chunk)
        pltpu.make_async_copy(rows_a, out_slot(last, 0), osem_a).wait()
        pltpu.make_async_copy(rows_b, out_slot(last, DIM), osem_b).wait()

    return gather_kernel(src, flat_idx)


def _tc_format(e2, B, L):
    sub = FMT_ROWS // 128

    def fmt_kernel(e_ref, out_ref):
        z = jnp.transpose(e_ref[...])
        for s in range(sub):
            zs = z[:, s * 128 : (s + 1) * 128]
            out_ref[0, :, 0, s, :, :] = zs[0:DIM].reshape(8, 8, 128)
            out_ref[0, :, 1, s, :, :] = zs[DIM:128].reshape(8, 8, 128)

    n_bgh = B // 256
    grid = (L, n_bgh // sub)
    return pl.pallas_call(
        fmt_kernel,
        grid=grid,
        in_specs=[
            pl.BlockSpec((FMT_ROWS, 128),
                         lambda l, k: (l * (n_bgh // sub) + k, 0)),
        ],
        out_specs=pl.BlockSpec((1, 8, 2, sub, 8, 128),
                               lambda l, k: (l, 0, 0, k, 0, 0)),
        out_shape=jax.ShapeDtypeStruct((L, 8, 2, n_bgh, 8, 128), jnp.float32),
    )(e2)


@jax.jit
def kernel(x, table, W_down, W_up):
    B, L = x.shape
    vocab = table.shape[0]
    n = B * L

    idx = x.T.reshape(n).astype(jnp.int32)

    tr_sh = TR_COLS.bit_length() - 1
    blk = idx >> tr_sh
    off = idx & (TR_COLS - 1)
    phys_idx = (blk << tr_sh) + ((off & (TR_COLS // 2 - 1)) << 1) \
        + (off >> (tr_sh - 1))

    g = _tc_transform(table.T, W_down, W_up, vocab)
    g_rows = g.reshape(g.shape[0] * g.shape[1] * 2, DIM)
    e2 = _sc_gather(g_rows, phys_idx, n, B)
    y = _tc_format(e2, B, L)
    return y.transpose(2, 3, 5, 0, 1, 4).reshape(B, L, DIM)

# --- scband reference (transcript-rebuilt; emitter-appended) ---
"""Pipeline reference for scband-idencoder-16758962389269 (READ-ONLY COPY).

The authoritative reference and input builder live on the scoring server;
editing this copy changes nothing except your own understanding.
"""

import jax, jax.numpy as jnp
import numpy as np

VOCAB = 1000000
DIM = 64
B = 16384
L = 50

def setup_inputs(seed: int = 0) -> dict:
    key = jax.random.key(seed)
    k1, k2, k3, k4 = jax.random.split(key, 4)
    x = jax.random.randint(k1, (B, L), 0, VOCAB, dtype=jnp.int64) if jax.config.jax_enable_x64 else jax.random.randint(k1, (B, L), 0, VOCAB, dtype=jnp.int32)
    table = jax.random.normal(k2, (VOCAB, DIM), dtype=jnp.float32) * 0.02
    W_down = jax.random.normal(k3, (DIM // 2, DIM), dtype=jnp.float32) * (1.0 / np.sqrt(DIM))
    W_up = jax.random.normal(k4, (DIM, DIM // 2), dtype=jnp.float32) * (1.0 / np.sqrt(DIM // 2))
    return {"x": x, "table": table, "W_down": W_down, "W_up": W_up}

def reference(x, table, W_down, W_up):
    # embedding lookup
    emb = jnp.take(table, x, axis=0)  # [B, L, DIM]
    # plugin downsampling: Linear(out_dim, out_dim//2, bias=False) -> y = x @ W^T
    down = emb @ W_down.T  # [B, L, DIM//2]
    # plugin upsampling
    up = down @ W_up.T  # [B, L, DIM]
    return up

if __name__ == "__main__":
    import jax
    _d = setup_inputs()
    print(jax.jit(kernel)(*tuple(_d.values())))

</pallas_src>

<mosaic_0001>
#map = affine_map<(d0, d1) -> (0, 0)>
#map1 = affine_map<(d0, d1) -> (0)>
module attributes {stable_mosaic.version = 14 : i64} {
  func.func @gather_kernel(%arg0: i32, %arg1: i32, %arg2: memref<1015808x64xf32, #tpu.memory_space<hbm>>, %arg3: memref<819200xi32, #tpu.memory_space<hbm>>, %arg4: memref<409600x128xf32, #tpu.memory_space<hbm>>, %arg5: memref<512xi32, #tpu.memory_space<vmem>>, %arg6: memref<512xi32, #tpu.memory_space<vmem>>, %arg7: memref<512x64xf32, #tpu.memory_space<vmem>>, %arg8: memref<512x64xf32, #tpu.memory_space<vmem>>, %arg9: memref<!tpu.dma_semaphore, #tpu.memory_space<semaphore_mem>>, %arg10: memref<!tpu.dma_semaphore, #tpu.memory_space<semaphore_mem>>, %arg11: memref<!tpu.dma_semaphore, #tpu.memory_space<semaphore_mem>>, %arg12: memref<!tpu.dma_semaphore, #tpu.memory_space<semaphore_mem>>) attributes {dimension_semantics = [#tpu.dimension_semantics<core_parallel>, #tpu.dimension_semantics<subcore_parallel>], iteration_bounds = array<i64: 2, 16>, scalar_prefetch = 0 : i64, scratch_operands = 8 : i64, tpu.core_type = #tpu.core_type<sc_vector_subcore>, window_params = [{transform_indices = #map}, {transform_indices = #map1}, {transform_indices = #map}]} {
    %mul3A = arith.constant 2 : i32
    %mul3A_0 = arith.muli %arg1, %mul3A : i32
    %add3A = arith.addi %mul3A_0, %arg0 : i32
    %mul3A_1 = arith.constant 12800 : i32
    %mul3A_2 = arith.muli %add3A, %mul3A_1 : i32
    %scan3A = arith.constant 0 : i32
    %scan3A_3 = arith.constant 0 : i32
    %scan3A_4 = arith.constant 25 : i32
    %scan3A_5 = arith.addi %scan3A_3, %scan3A_4 : i32
    %scan3A_6 = arith.constant 1 : i32
    scf.for %scan3A_17 = %scan3A_3 to %scan3A_5 step %scan3A_6  : i32 {
      %mul3A_18 = arith.constant 512 : i32
      %mul3A_19 = arith.muli %scan3A_17, %mul3A_18 : i32
      %add3A_20 = arith.addi %mul3A_2, %mul3A_19 : i32
      %multiple_of3A_21 = tpu.assume_multiple %add3A_20, 512 : i32
      %shift_right_arithmetic3A = arith.constant 13 : i32
      %shift_right_arithmetic3A_22 = arith.shrsi %multiple_of3A_21, %shift_right_arithmetic3A : i32
      %shift_left3A = arith.constant 13 : i32
      %shift_left3A_23 = arith.shli %shift_right_arithmetic3A_22, %shift_left3A : i32
      %sub3A = arith.subi %multiple_of3A_21, %shift_left3A_23 : i32
      %shift_left3A_24 = arith.constant 14 : i32
      %shift_left3A_25 = arith.shli %shift_right_arithmetic3A_22, %shift_left3A_24 : i32
      %add3A_26 = arith.addi %shift_left3A_25, %sub3A : i32
      %multiple_of3A_27 = tpu.assume_multiple %add3A_26, 512 : i32
      "tpu.region"() ({
        %run_scoped3A = tpu.sem_alloc : memref<!tpu.dma_semaphore, #tpu.memory_space<semaphore_mem>>
        %dma_start3A_51 = tpu.memref_slice %arg3[%multiple_of3A_27] : memref<819200xi32, #tpu.memory_space<hbm>> -> memref<512xi32, #tpu.memory_space<hbm>>
        %dma_start3A_52 = tpu.memref_slice %arg3[%multiple_of3A_27] : memref<819200xi32, #tpu.memory_space<hbm>> -> memref<512xi32, #tpu.memory_space<hbm>>
        tpu.enqueue_dma source(%dma_start3A_52 : memref<512xi32, #tpu.memory_space<hbm>>) target(%arg5 : memref<512xi32, #tpu.memory_space<vmem>>) target_semaphore(%run_scoped3A : memref<!tpu.dma_semaphore, #tpu.memory_space<semaphore_mem>>)
        %dma_wait3A_53 = tpu.memref_slice %arg3[%multiple_of3A_27] : memref<819200xi32, #tpu.memory_space<hbm>> -> memref<512xi32, #tpu.memory_space<hbm>>
        %dma_wait3A_54 = tpu.memref_slice %arg3[%multiple_of3A_27] : memref<819200xi32, #tpu.memory_space<hbm>> -> memref<512xi32, #tpu.memory_space<hbm>>
        tpu.wait_dma2 semaphore(%run_scoped3A : memref<!tpu.dma_semaphore, #tpu.memory_space<semaphore_mem>>) src(%dma_wait3A_54 : memref<512xi32, #tpu.memory_space<hbm>>) dst(%arg5 : memref<512xi32, #tpu.memory_space<vmem>>)
        tpu.yield
      }) : () -> ()
      %add3A_28 = arith.constant 8192 : i32
      %add3A_29 = arith.addi %multiple_of3A_27, %add3A_28 : i32
      "tpu.region"() ({
        %run_scoped3A = tpu.sem_alloc : memref<!tpu.dma_semaphore, #tpu.memory_space<semaphore_mem>>
        %dma_start3A_51 = tpu.memref_slice %arg3[%add3A_29] : memref<819200xi32, #tpu.memory_space<hbm>> -> memref<512xi32, #tpu.memory_space<hbm>>
        %dma_start3A_52 = tpu.memref_slice %arg3[%add3A_29] : memref<819200xi32, #tpu.memory_space<hbm>> -> memref<512xi32, #tpu.memory_space<hbm>>
        tpu.enqueue_dma source(%dma_start3A_52 : memref<512xi32, #tpu.memory_space<hbm>>) target(%arg6 : memref<512xi32, #tpu.memory_space<vmem>>) target_semaphore(%run_scoped3A : memref<!tpu.dma_semaphore, #tpu.memory_space<semaphore_mem>>)
        %dma_wait3A_53 = tpu.memref_slice %arg3[%add3A_29] : memref<819200xi32, #tpu.memory_space<hbm>> -> memref<512xi32, #tpu.memory_space<hbm>>
        %dma_wait3A_54 = tpu.memref_slice %arg3[%add3A_29] : memref<819200xi32, #tpu.memory_space<hbm>> -> memref<512xi32, #tpu.memory_space<hbm>>
        tpu.wait_dma2 semaphore(%run_scoped3A : memref<!tpu.dma_semaphore, #tpu.memory_space<semaphore_mem>>) src(%dma_wait3A_54 : memref<512xi32, #tpu.memory_space<hbm>>) dst(%arg6 : memref<512xi32, #tpu.memory_space<vmem>>)
        tpu.yield
      }) : () -> ()
      %gt3A = arith.constant 0 : i32
      %gt3A_30 = arith.cmpi sgt, %scan3A_17, %gt3A : i32
      %convert_element_type3A = arith.extui %gt3A_30 : i1 to i32
      %cond3A = arith.constant 0 : i32
      %cond3A_31 = arith.cmpi ne, %convert_element_type3A, %cond3A : i32
      scf.if %cond3A_31 {
        %dma_wait3A_51 = arith.constant 0 : i32
        %dma_wait3A_52 = tpu.memref_slice %arg4[%multiple_of3A_21, %dma_wait3A_51] : memref<409600x128xf32, #tpu.memory_space<hbm>> -> memref<512x64xf32, #tpu.memory_space<hbm>>
        %dma_wait3A_53 = arith.constant 0 : i32
        %dma_wait3A_54 = tpu.memref_slice %arg4[%multiple_of3A_21, %dma_wait3A_53] : memref<409600x128xf32, #tpu.memory_space<hbm>> -> memref<512x64xf32, #tpu.memory_space<hbm>>
        tpu.wait_dma2 semaphore(%arg11 : memref<!tpu.dma_semaphore, #tpu.memory_space<semaphore_mem>>) src(%arg7 : memref<512x64xf32, #tpu.memory_space<vmem>>) dst(%dma_wait3A_54 : memref<512x64xf32, #tpu.memory_space<hbm>>)
        %dma_wait3A_55 = arith.constant 64 : i32
        %dma_wait3A_56 = tpu.memref_slice %arg4[%multiple_of3A_21, %dma_wait3A_55] : memref<409600x128xf32, #tpu.memory_space<hbm>> -> memref<512x64xf32, #tpu.memory_space<hbm>>
        %dma_wait3A_57 = arith.constant 64 : i32
        %dma_wait3A_58 = tpu.memref_slice %arg4[%multiple_of3A_21, %dma_wait3A_57] : memref<409600x128xf32, #tpu.memory_space<hbm>> -> memref<512x64xf32, #tpu.memory_space<hbm>>
        tpu.wait_dma2 semaphore(%arg12 : memref<!tpu.dma_semaphore, #tpu.memory_space<semaphore_mem>>) src(%arg8 : memref<512x64xf32, #tpu.memory_space<vmem>>) dst(%dma_wait3A_58 : memref<512x64xf32, #tpu.memory_space<hbm>>)
      } else {
      }
      %dma_start3A = arith.constant 0 : i32
      %dma_start3A_32 = arith.constant 0 : i32
      %dma_start3A_33 = tpu.memref_slice %arg2[%dma_start3A, %dma_start3A_32] : memref<1015808x64xf32, #tpu.memory_space<hbm>> -> memref<1015808x64xf32, #tpu.memory_space<hbm>>
      tpu.enqueue_indirect_dma source(%dma_start3A_33 : memref<1015808x64xf32, #tpu.memory_space<hbm>>) target(%arg7 : memref<512x64xf32, #tpu.memory_space<vmem>>) offsets(%arg5 : memref<512xi32, #tpu.memory_space<vmem>>) semaphore(%arg9 : memref<!tpu.dma_semaphore, #tpu.memory_space<semaphore_mem>>)
      %dma_start3A_34 = arith.constant 0 : i32
      %dma_start3A_35 = arith.constant 0 : i32
      %dma_start3A_36 = tpu.memref_slice %arg2[%dma_start3A_34, %dma_start3A_35] : memref<1015808x64xf32, #tpu.memory_space<hbm>> -> memref<1015808x64xf32, #tpu.memory_space<hbm>>
      tpu.enqueue_indirect_dma source(%dma_start3A_36 : memref<1015808x64xf32, #tpu.memory_space<hbm>>) target(%arg8 : memref<512x64xf32, #tpu.memory_space<vmem>>) offsets(%arg6 : memref<512xi32, #tpu.memory_space<vmem>>) semaphore(%arg10 : memref<!tpu.dma_semaphore, #tpu.memory_space<semaphore_mem>>)
      %dma_wait3A_37 = arith.constant 0 : i32
      %dma_wait3A_38 = arith.constant 0 : i32
      %dma_wait3A_39 = tpu.memref_slice %arg2[%dma_wait3A_37, %dma_wait3A_38] : memref<1015808x64xf32, #tpu.memory_space<hbm>> -> memref<1015808x64xf32, #tpu.memory_space<hbm>>
      tpu.wait_indirect_dma semaphore(%arg9 : memref<!tpu.dma_semaphore, #tpu.memory_space<semaphore_mem>>) src(%dma_wait3A_39 : memref<1015808x64xf32, #tpu.memory_space<hbm>>) dst(%arg7 : memref<512x64xf32, #tpu.memory_space<vmem>>)
      %dma_start3A_40 = arith.constant 0 : i32
      %dma_start3A_41 = tpu.memref_slice %arg4[%multiple_of3A_21, %dma_start3A_40] : memref<409600x128xf32, #tpu.memory_space<hbm>> -> memref<512x64xf32, #tpu.memory_space<hbm>>
      %dma_start3A_42 = arith.constant 0 : i32
      %dma_start3A_43 = tpu.memref_slice %arg4[%multiple_of3A_21, %dma_start3A_42] : memref<409600x128xf32, #tpu.memory_space<hbm>> -> memref<512x64xf32, #tpu.memory_space<hbm>>
      tpu.enqueue_dma source(%arg7 : memref<512x64xf32, #tpu.memory_space<vmem>>) target(%dma_start3A_43 : memref<512x64xf32, #tpu.memory_space<hbm>>) target_semaphore(%arg11 : memref<!tpu.dma_semaphore, #tpu.memory_space<semaphore_mem>>)
      %dma_wait3A_44 = arith.constant 0 : i32
      %dma_wait3A_45 = arith.constant 0 : i32
      %dma_wait3A_46 = tpu.memref_slice %arg2[%dma_wait3A_44, %dma_wait3A_45] : memref<1015808x64xf32, #tpu.memory_space<hbm>> -> memref<1015808x64xf32, #tpu.memory_space<hbm>>
      tpu.wait_indirect_dma semaphore(%arg10 : memref<!tpu.dma_semaphore, #tpu.memory_space<semaphore_mem>>) src(%dma_wait3A_46 : memref<1015808x64xf32, #tpu.memory_space<hbm>>) dst(%arg8 : memref<512x64xf32, #tpu.memory_space<vmem>>)
      %dma_start3A_47 = arith.constant 64 : i32
      %dma_start3A_48 = tpu.memref_slice %arg4[%multiple_of3A_21, %dma_start3A_47] : memref<409600x128xf32, #tpu.memory_space<hbm>> -> memref<512x64xf32, #tpu.memory_space<hbm>>
      %dma_start3A_49 = arith.constant 64 : i32
      %dma_start3A_50 = tpu.memref_slice %arg4[%multiple_of3A_21, %dma_start3A_49] : memref<409600x128xf32, #tpu.memory_space<hbm>> -> memref<512x64xf32, #tpu.memory_space<hbm>>
      tpu.enqueue_dma source(%arg8 : memref<512x64xf32, #tpu.memory_space<vmem>>) target(%dma_start3A_50 : memref<512x64xf32, #tpu.memory_space<hbm>>) target_semaphore(%arg12 : memref<!tpu.dma_semaphore, #tpu.memory_space<semaphore_mem>>)
    }
    %scan3A_7 = arith.constant 25 : i32
    %add3A_8 = arith.constant 12288 : i32
    %add3A_9 = arith.addi %mul3A_2, %add3A_8 : i32
    %multiple_of3A = tpu.assume_multiple %add3A_9, 512 : i32
    %dma_wait3A = arith.constant 0 : i32
    %dma_wait3A_10 = tpu.memref_slice %arg4[%multiple_of3A, %dma_wait3A] : memref<409600x128xf32, #tpu.memory_space<hbm>> -> memref<512x64xf32, #tpu.memory_space<hbm>>
    %dma_wait3A_11 = arith.constant 0 : i32
    %dma_wait3A_12 = tpu.memref_slice %arg4[%multiple_of3A, %dma_wait3A_11] : memref<409600x128xf32, #tpu.memory_space<hbm>> -> memref<512x64xf32, #tpu.memory_space<hbm>>
    tpu.wait_dma2 semaphore(%arg11 : memref<!tpu.dma_semaphore, #tpu.memory_space<semaphore_mem>>) src(%arg7 : memref<512x64xf32, #tpu.memory_space<vmem>>) dst(%dma_wait3A_12 : memref<512x64xf32, #tpu.memory_space<hbm>>)
    %dma_wait3A_13 = arith.constant 64 : i32
    %dma_wait3A_14 = tpu.memref_slice %arg4[%multiple_of3A, %dma_wait3A_13] : memref<409600x128xf32, #tpu.memory_space<hbm>> -> memref<512x64xf32, #tpu.memory_space<hbm>>
    %dma_wait3A_15 = arith.constant 64 : i32
    %dma_wait3A_16 = tpu.memref_slice %arg4[%multiple_of3A, %dma_wait3A_15] : memref<409600x128xf32, #tpu.memory_space<hbm>> -> memref<512x64xf32, #tpu.memory_space<hbm>>
    tpu.wait_dma2 semaphore(%arg12 : memref<!tpu.dma_semaphore, #tpu.memory_space<semaphore_mem>>) src(%arg8 : memref<512x64xf32, #tpu.memory_space<vmem>>) dst(%dma_wait3A_16 : memref<512x64xf32, #tpu.memory_space<hbm>>)
    return
  }
}

module attributes {stable_mosaic.version = 14 : i64} {
  func.func @tr_kernel(%arg0: i32, %arg1: memref<64x32768xf32, #tpu.memory_space<vmem>>, %arg2: memref<32x64xf32, #tpu.memory_space<vmem>>, %arg3: memref<64x32xf32, #tpu.memory_space<vmem>>, %arg4: memref<1x16384x128xf32, #tpu.memory_space<vmem>>) attributes {dimension_semantics = [#tpu.dimension_semantics<arbitrary>], iteration_bounds = array<i64: 31>, scalar_prefetch = 0 : i64, scratch_operands = 0 : i64, tpu.core_type = #tpu.core_type<tc>, window_params = [{transform_indices = @transform_0, window_bounds = array<i64: 64, 32768>}, {pipeline_mode = #tpu.pipeline_mode<synchronous>, transform_indices = @transform_1, window_bounds = array<i64: 32, 64>}, {pipeline_mode = #tpu.pipeline_mode<synchronous>, transform_indices = @transform_2, window_bounds = array<i64: 64, 32>}, {transform_indices = @transform_3, window_bounds = array<i64: 1, 16384, 128>}]} {
    %get3A = arith.constant 0 : index
    %get3A_0 = arith.constant 0 : index
    %get3A_1 = vector.load %arg3[%get3A, %get3A_0] : memref<64x32xf32, #tpu.memory_space<vmem>>, vector<64x32xf32>
    %get3A_2 = arith.constant 0 : index
    %get3A_3 = arith.constant 0 : index
    %get3A_4 = vector.load %arg2[%get3A_2, %get3A_3] : memref<32x64xf32, #tpu.memory_space<vmem>>, vector<32x64xf32>
    %dot_general3A = arith.constant dense<0.000000e+00> : vector<64x64xf32>
    %dot_general3A_5 = tpu.matmul %get3A_1, %get3A_4, %dot_general3A {dimension_numbers = #tpu.dot_dimension_numbers<[1], [0], [0], [1], [0, 0, 1, 1], [], []>, transpose_lhs_hint = false} : vector<64x32xf32>, vector<32x64xf32>, vector<64x64xf32> -> vector<64x64xf32>
    %get3A_6 = arith.constant 0 : index
    %get3A_7 = arith.constant 0 : index
    %get3A_8 = vector.load %arg1[%get3A_6, %get3A_7] : memref<64x32768xf32, #tpu.memory_space<vmem>>, vector<64x16384xf32>
    %dot_general3A_9 = arith.constant dense<0.000000e+00> : vector<16384x64xf32>
    %dot_general3A_10 = tpu.matmul %get3A_8, %dot_general3A_5, %dot_general3A_9 {dimension_numbers = #tpu.dot_dimension_numbers<[0], [1], [1], [0], [0, 1, 1, 0], [], []>, transpose_lhs_hint = true} : vector<64x16384xf32>, vector<64x64xf32>, vector<16384x64xf32> -> vector<16384x64xf32>
    %swap3A = arith.constant 0 : index
    %swap3A_11 = arith.constant 0 : index
    %swap3A_12 = arith.constant 0 : index
    %swap3A_13 = vector.load %arg4[%swap3A, %swap3A_11, %swap3A_12] : memref<1x16384x128xf32, #tpu.memory_space<vmem>>, vector<1x16384x64xf32>
    %swap3A_14 = vector.shape_cast %swap3A_13 : vector<1x16384x64xf32> to vector<16384x64xf32>
    %swap3A_15 = vector.shape_cast %dot_general3A_10 : vector<16384x64xf32> to vector<1x16384x64xf32>
    tpu.vector_store %arg4[%swap3A, %swap3A_11, %swap3A_12], %swap3A_15 {strides = array<i32>} : memref<1x16384x128xf32, #tpu.memory_space<vmem>>, vector<1x16384x64xf32>,
    %get3A_16 = arith.constant 0 : index
    %get3A_17 = arith.constant 16384 : index
    %get3A_18 = vector.load %arg1[%get3A_16, %get3A_17] : memref<64x32768xf32, #tpu.memory_space<vmem>>, vector<64x16384xf32>
    %dot_general3A_19 = arith.constant dense<0.000000e+00> : vector<16384x64xf32>
    %dot_general3A_20 = tpu.matmul %get3A_18, %dot_general3A_5, %dot_general3A_19 {dimension_numbers = #tpu.dot_dimension_numbers<[0], [1], [1], [0], [0, 1, 1, 0], [], []>, transpose_lhs_hint = true} : vector<64x16384xf32>, vector<64x64xf32>, vector<16384x64xf32> -> vector<16384x64xf32>
    %swap3A_21 = arith.constant 0 : index
    %swap3A_22 = arith.constant 0 : index
    %swap3A_23 = arith.constant 64 : index
    %swap3A_24 = vector.load %arg4[%swap3A_21, %swap3A_22, %swap3A_23] : memref<1x16384x128xf32, #tpu.memory_space<vmem>>, vector<1x16384x64xf32>
    %swap3A_25 = vector.shape_cast %swap3A_24 : vector<1x16384x64xf32> to vector<16384x64xf32>
    %swap3A_26 = vector.shape_cast %dot_general3A_20 : vector<16384x64xf32> to vector<1x16384x64xf32>
    tpu.vector_store %arg4[%swap3A_21, %swap3A_22, %swap3A_23], %swap3A_26 {strides = array<i32>} : memref<1x16384x128xf32, #tpu.memory_space<vmem>>, vector<1x16384x64xf32>,
    return
  }
  func.func @transform_0(%arg0: i32) -> (i32, i32) {
    %c0_i32 = arith.constant 0 : i32
    %c0_i32_0 = arith.constant 0 : i32
    return %c0_i32, %arg0 : i32, i32
  }
  func.func @transform_1(%arg0: i32) -> (i32, i32) {
    %c0_i32 = arith.constant 0 : i32
    %c0_i32_0 = arith.constant 0 : i32
    %c0_i32_1 = arith.constant 0 : i32
    return %c0_i32, %c0_i32_0 : i32, i32
  }
  func.func @transform_2(%arg0: i32) -> (i32, i32) {
    %c0_i32 = arith.constant 0 : i32
    %c0_i32_0 = arith.constant 0 : i32
    %c0_i32_1 = arith.constant 0 : i32
    return %c0_i32, %c0_i32_0 : i32, i32
  }
  func.func @transform_3(%arg0: i32) -> (i32, i32, i32) {
    %c0_i32 = arith.constant 0 : i32
    %c0_i32_0 = arith.constant 0 : i32
    %c0_i32_1 = arith.constant 0 : i32
    return %arg0, %c0_i32, %c0_i32_0 : i32, i32, i32
  }
}

module attributes {stable_mosaic.version = 14 : i64} {
  func.func @fmt_kernel(%arg0: i32, %arg1: i32, %arg2: memref<8192x128xf32, #tpu.memory_space<vmem>>, %arg3: memref<1x8x2x64x8x128xf32, #tpu.memory_space<vmem>>) attributes {dimension_semantics = [#tpu.dimension_semantics<arbitrary>, #tpu.dimension_semantics<arbitrary>], iteration_bounds = array<i64: 50, 1>, scalar_prefetch = 0 : i64, scratch_operands = 0 : i64, tpu.core_type = #tpu.core_type<tc>, window_params = [{transform_indices = @transform_0, window_bounds = array<i64: 8192, 128>}, {transform_indices = @transform_1, window_bounds = array<i64: 1, 8, 2, 64, 8, 128>}]} {
    %get3A = arith.constant 0 : index
    %get3A_0 = arith.constant 0 : index
    %get3A_1 = vector.load %arg2[%get3A, %get3A_0] : memref<8192x128xf32, #tpu.memory_space<vmem>>, vector<8192x128xf32>
    %transpose3A = tpu.transpose %get3A_1, [1, 0] : vector<8192x128xf32> -> vector<128x8192xf32>
    %slice3A = vector.extract_strided_slice %transpose3A {offsets = [0, 0], sizes = [128, 128], strides = [1, 1]} : vector<128x8192xf32> to vector<128x128xf32>
    %slice3A_2 = vector.extract_strided_slice %slice3A {offsets = [0, 0], sizes = [64, 128], strides = [1, 1]} : vector<128x128xf32> to vector<64x128xf32>
    %reshape3A = vector.shape_cast %slice3A_2 : vector<64x128xf32> to vector<8x8x128xf32>
    %swap3A = arith.constant 0 : index
    %swap3A_3 = arith.constant 0 : index
    %swap3A_4 = arith.constant 0 : index
    %swap3A_5 = arith.constant 0 : index
    %swap3A_6 = arith.constant 0 : index
    %swap3A_7 = arith.constant 0 : index
    %swap3A_8 = vector.load %arg3[%swap3A, %swap3A_3, %swap3A_4, %swap3A_5, %swap3A_6, %swap3A_7] : memref<1x8x2x64x8x128xf32, #tpu.memory_space<vmem>>, vector<1x8x1x1x8x128xf32>
    %swap3A_9 = vector.shape_cast %swap3A_8 : vector<1x8x1x1x8x128xf32> to vector<8x8x128xf32>
    %swap3A_10 = vector.shape_cast %reshape3A : vector<8x8x128xf32> to vector<1x8x1x1x8x128xf32>
    tpu.vector_store %arg3[%swap3A, %swap3A_3, %swap3A_4, %swap3A_5, %swap3A_6, %swap3A_7], %swap3A_10 {strides = array<i32>} : memref<1x8x2x64x8x128xf32, #tpu.memory_space<vmem>>, vector<1x8x1x1x8x128xf32>,
    %slice3A_11 = vector.extract_strided_slice %slice3A {offsets = [64, 0], sizes = [64, 128], strides = [1, 1]} : vector<128x128xf32> to vector<64x128xf32>
    %reshape3A_12 = vector.shape_cast %slice3A_11 : vector<64x128xf32> to vector<8x8x128xf32>
    %swap3A_13 = arith.constant 0 : index
    %swap3A_14 = arith.constant 0 : index
    %swap3A_15 = arith.constant 1 : index
    %swap3A_16 = arith.constant 0 : index
    %swap3A_17 = arith.constant 0 : index
    %swap3A_18 = arith.constant 0 : index
    %swap3A_19 = vector.load %arg3[%swap3A_13, %swap3A_14, %swap3A_15, %swap3A_16, %swap3A_17, %swap3A_18] : memref<1x8x2x64x8x128xf32, #tpu.memory_space<vmem>>, vector<1x8x1x1x8x128xf32>
    %swap3A_20 = vector.shape_cast %swap3A_19 : vector<1x8x1x1x8x128xf32> to vector<8x8x128xf32>
    %swap3A_21 = vector.shape_cast %reshape3A_12 : vector<8x8x128xf32> to vector<1x8x1x1x8x128xf32>
    tpu.vector_store %arg3[%swap3A_13, %swap3A_14, %swap3A_15, %swap3A_16, %swap3A_17, %swap3A_18], %swap3A_21 {strides = array<i32>} : memref<1x8x2x64x8x128xf32, #tpu.memory_space<vmem>>, vector<1x8x1x1x8x128xf32>,
    %slice3A_22 = vector.extract_strided_slice %transpose3A {offsets = [0, 128], sizes = [128, 128], strides = [1, 1]} : vector<128x8192xf32> to vector<128x128xf32>
    %slice3A_23 = vector.extract_strided_slice %slice3A_22 {offsets = [0, 0], sizes = [64, 128], strides = [1, 1]} : vector<128x128xf32> to vector<64x128xf32>
    %reshape3A_24 = vector.shape_cast %slice3A_23 : vector<64x128xf32> to vector<8x8x128xf32>
    %swap3A_25 = arith.constant 0 : index
    %swap3A_26 = arith.constant 0 : index
    %swap3A_27 = arith.constant 0 : index
    %swap3A_28 = arith.constant 1 : index
    %swap3A_29 = arith.constant 0 : index
    %swap3A_30 = arith.constant 0 : index
    %swap3A_31 = vector.load %arg3[%swap3A_25, %swap3A_26, %swap3A_27, %swap3A_28, %swap3A_29, %swap3A_30] : memref<1x8x2x64x8x128xf32, #tpu.memory_space<vmem>>, vector<1x8x1x1x8x128xf32>
    %swap3A_32 = vector.shape_cast %swap3A_31 : vector<1x8x1x1x8x128xf32> to vector<8x8x128xf32>
    %swap3A_33 = vector.shape_cast %reshape3A_24 : vector<8x8x128xf32> to vector<1x8x1x1x8x128xf32>
    tpu.vector_store %arg3[%swap3A_25, %swap3A_26, %swap3A_27, %swap3A_28, %swap3A_29, %swap3A_30], %swap3A_33 {strides = array<i32>} : memref<1x8x2x64x8x128xf32, #tpu.memory_space<vmem>>, vector<1x8x1x1x8x128xf32>,
    %slice3A_34 = vector.extract_strided_slice %slice3A_22 {offsets = [64, 0], sizes = [64, 128], strides = [1, 1]} : vector<128x128xf32> to vector<64x128xf32>
    %reshape3A_35 = vector.shape_cast %slice3A_34 : vector<64x128xf32> to vector<8x8x128xf32>
    %swap3A_36 = arith.constant 0 : index
    %swap3A_37 = arith.constant 0 : index
    %swap3A_38 = arith.constant 1 : index
    %swap3A_39 = arith.constant 1 : index
    %swap3A_40 = arith.constant 0 : index
    %swap3A_41 = arith.constant 0 : index
    %swap3A_42 = vector.load %arg3[%swap3A_36, %swap3A_37, %swap3A_38, %swap3A_39, %swap3A_40, %swap3A_41] : memref<1x8x2x64x8x128xf32, #tpu.memory_space<vmem>>, vector<1x8x1x1x8x128xf32>
    %swap3A_43 = vector.shape_cast %swap3A_42 : vector<1x8x1x1x8x128xf32> to vector<8x8x128xf32>
    %swap3A_44 = vector.shape_cast %reshape3A_35 : vector<8x8x128xf32> to vector<1x8x1x1x8x128xf32>
    tpu.vector_store %arg3[%swap3A_36, %swap3A_37, %swap3A_38, %swap3A_39, %swap3A_40, %swap3A_41], %swap3A_44 {strides = array<i32>} : memref<1x8x2x64x8x128xf32, #tpu.memory_space<vmem>>, vector<1x8x1x1x8x128xf32>,
    %slice3A_45 = vector.extract_strided_slice %transpose3A {offsets = [0, 256], sizes = [128, 128], strides = [1, 1]} : vector<128x8192xf32> to vector<128x128xf32>
    %slice3A_46 = vector.extract_strided_slice %slice3A_45 {offsets = [0, 0], sizes = [64, 128], strides = [1, 1]} : vector<128x128xf32> to vector<64x128xf32>
    %reshape3A_47 = vector.shape_cast %slice3A_46 : vector<64x128xf32> to vector<8x8x128xf32>
    %swap3A_48 = arith.constant 0 : index
    %swap3A_49 = arith.constant 0 : index
    %swap3A_50 = arith.constant 0 : index
    %swap3A_51 = arith.constant 2 : index
    %swap3A_52 = arith.constant 0 : index
    %swap3A_53 = arith.constant 0 : index
    %swap3A_54 = vector.load %arg3[%swap3A_48, %swap3A_49, %swap3A_50, %swap3A_51, %swap3A_52, %swap3A_53] : memref<1x8x2x64x8x128xf32, #tpu.memory_space<vmem>>, vector<1x8x1x1x8x128xf32>
    %swap3A_55 = vector.shape_cast %swap3A_54 : vector<1x8x1x1x8x128xf32> to vector<8x8x128xf32>
    %swap3A_56 = vector.shape_cast %reshape3A_47 : vector<8x8x128xf32> to vector<1x8x1x1x8x128xf32>
    tpu.vector_store %arg3[%swap3A_48, %swap3A_49, %swap3A_50, %swap3A_51, %swap3A_52, %swap3A_53], %swap3A_56 {strides = array<i32>} : memref<1x8x2x64x8x128xf32, #tpu.memory_space<vmem>>, vector<1x8x1x1x8x128xf32>,
    %slice3A_57 = vector.extract_strided_slice %slice3A_45 {offsets = [64, 0], sizes = [64, 128], strides = [1, 1]} : vector<128x128xf32> to vector<64x128xf32>
    %reshape3A_58 = vector.shape_cast %slice3A_57 : vector<64x128xf32> to vector<8x8x128xf32>
    %swap3A_59 = arith.constant 0 : index
    %swap3A_60 = arith.constant 0 : index
    %swap3A_61 = arith.constant 1 : index
    %swap3A_62 = arith.constant 2 : index
    %swap3A_63 = arith.constant 0 : index
    %swap3A_64 = arith.constant 0 : index
    %swap3A_65 = vector.load %arg3[%swap3A_59, %swap3A_60, %swap3A_61, %swap3A_62, %swap3A_63, %swap3A_64] : memref<1x8x2x64x8x128xf32, #tpu.memory_space<vmem>>, vector<1x8x1x1x8x128xf32>
    %swap3A_66 = vector.shape_cast %swap3A_65 : vector<1x8x1x1x8x128xf32> to vector<8x8x128xf32>
    %swap3A_67 = vector.shape_cast %reshape3A_58 : vector<8x8x128xf32> to vector<1x8x1x1x8x128xf32>
    tpu.vector_store %arg3[%swap3A_59, %swap3A_60, %swap3A_61, %swap3A_62, %swap3A_63, %swap3A_64], %swap3A_67 {strides = array<i32>} : memref<1x8x2x64x8x128xf32, #tpu.memory_space<vmem>>, vector<1x8x1x1x8x128xf32>,
    %slice3A_68 = vector.extract_strided_slice %transpose3A {offsets = [0, 384], sizes = [128, 128], strides = [1, 1]} : vector<128x8192xf32> to vector<128x128xf32>
    %slice3A_69 = vector.extract_strided_slice %slice3A_68 {offsets = [0, 0], sizes = [64, 128], strides = [1, 1]} : vector<128x128xf32> to vector<64x128xf32>
    %reshape3A_70 = vector.shape_cast %slice3A_69 : vector<64x128xf32> to vector<8x8x128xf32>
    %swap3A_71 = arith.constant 0 : index
    %swap3A_72 = arith.constant 0 : index
    %swap3A_73 = arith.constant 0 : index
    %swap3A_74 = arith.constant 3 : index
    %swap3A_75 = arith.constant 0 : index
    %swap3A_76 = arith.constant 0 : index
    %swap3A_77 = vector.load %arg3[%swap3A_71, %swap3A_72, %swap3A_73, %swap3A_74, %swap3A_75, %swap3A_76] : memref<1x8x2x64x8x128xf32, #tpu.memory_space<vmem>>, vector<1x8x1x1x8x128xf32>
    %swap3A_78 = vector.shape_cast %swap3A_77 : vector<1x8x1x1x8x128xf32> to vector<8x8x128xf32>
    %swap3A_79 = vector.shape_cast %reshape3A_70 : vector<8x8x128xf32> to vector<1x8x1x1x8x128xf32>
    tpu.vector_store %arg3[%swap3A_71, %swap3A_72, %swap3A_73, %swap3A_74, %swap3A_75, %swap3A_76], %swap3A_79 {strides = array<i32>} : memref<1x8x2x64x8x128xf32, #tpu.memory_space<vmem>>, vector<1x8x1x1x8x128xf32>,
    %slice3A_80 = vector.extract_strided_slice %slice3A_68 {offsets = [64, 0], sizes = [64, 128], strides = [1, 1]} : vector<128x128xf32> to vector<64x128xf32>
    %reshape3A_81 = vector.shape_cast %slice3A_80 : vector<64x128xf32> to vector<8x8x128xf32>
    %swap3A_82 = arith.constant 0 : index
    %swap3A_83 = arith.constant 0 : index
    %swap3A_84 = arith.constant 1 : index
    %swap3A_85 = arith.constant 3 : index
    %swap3A_86 = arith.constant 0 : index
    %swap3A_87 = arith.constant 0 : index
    %swap3A_88 = vector.load %arg3[%swap3A_82, %swap3A_83, %swap3A_84, %swap3A_85, %swap3A_86, %swap3A_87] : memref<1x8x2x64x8x128xf32, #tpu.memory_space<vmem>>, vector<1x8x1x1x8x128xf32>
    %swap3A_89 = vector.shape_cast %swap3A_88 : vector<1x8x1x1x8x128xf32> to vector<8x8x128xf32>
    %swap3A_90 = vector.shape_cast %reshape3A_81 : vector<8x8x128xf32> to vector<1x8x1x1x8x128xf32>
    tpu.vector_store %arg3[%swap3A_82, %swap3A_83, %swap3A_84, %swap3A_85, %swap3A_86, %swap3A_87], %swap3A_90 {strides = array<i32>} : memref<1x8x2x64x8x128xf32, #tpu.memory_space<vmem>>, vector<1x8x1x1x8x128xf32>,
    %slice3A_91 = vector.extract_strided_slice %transpose3A {offsets = [0, 512], sizes = [128, 128], strides = [1, 1]} : vector<128x8192xf32> to vector<128x128xf32>
    %slice3A_92 = vector.extract_strided_slice %slice3A_91 {offsets = [0, 0], sizes = [64, 128], strides = [1, 1]} : vector<128x128xf32> to vector<64x128xf32>
    %reshape3A_93 = vector.shape_cast %slice3A_92 : vector<64x128xf32> to vector<8x8x128xf32>
    %swap3A_94 = arith.constant 0 : index
    %swap3A_95 = arith.constant 0 : index
    %swap3A_96 = arith.constant 0 : index
    %swap3A_97 = arith.constant 4 : index
    %swap3A_98 = arith.constant 0 : index
    %swap3A_99 = arith.constant 0 : index
    %swap3A_100 = vector.load %arg3[%swap3A_94, %swap3A_95, %swap3A_96, %swap3A_97, %swap3A_98, %swap3A_99] : memref<1x8x2x64x8x128xf32, #tpu.memory_space<vmem>>, vector<1x8x1x1x8x128xf32>
    %swap3A_101 = vector.shape_cast %swap3A_100 : vector<1x8x1x1x8x128xf32> to vector<8x8x128xf32>
    %swap3A_102 = vector.shape_cast %reshape3A_93 : vector<8x8x128xf32> to vector<1x8x1x1x8x128xf32>
    tpu.vector_store %arg3[%swap3A_94, %swap3A_95, %swap3A_96, %swap3A_97, %swap3A_98, %swap3A_99], %swap3A_102 {strides = array<i32>} : memref<1x8x2x64x8x128xf32, #tpu.memory_space<vmem>>, vector<1x8x1x1x8x128xf32>,
    %slice3A_103 = vector.extract_strided_slice %slice3A_91 {offsets = [64, 0], sizes = [64, 128], strides = [1, 1]} : vector<128x128xf32> to vector<64x128xf32>
    %reshape3A_104 = vector.shape_cast %slice3A_103 : vector<64x128xf32> to vector<8x8x128xf32>
    %swap3A_105 = arith.constant 0 : index
    %swap3A_106 = arith.constant 0 : index
    %swap3A_107 = arith.constant 1 : index
    %swap3A_108 = arith.constant 4 : index
    %swap3A_109 = arith.constant 0 : index
    %swap3A_110 = arith.constant 0 : index
    %swap3A_111 = vector.load %arg3[%swap3A_105, %swap3A_106, %swap3A_107, %swap3A_108, %swap3A_109, %swap3A_110] : memref<1x8x2x64x8x128xf32, #tpu.memory_space<vmem>>, vector<1x8x1x1x8x128xf32>
    %swap3A_112 = vector.shape_cast %swap3A_111 : vector<1x8x1x1x8x128xf32> to vector<8x8x128xf32>
    %swap3A_113 = vector.shape_cast %reshape3A_104 : vector<8x8x128xf32> to vector<1x8x1x1x8x128xf32>
    tpu.vector_store %arg3[%swap3A_105, %swap3A_106, %swap3A_107, %swap3A_108, %swap3A_109, %swap3A_110], %swap3A_113 {strides = array<i32>} : memref<1x8x2x64x8x128xf32, #tpu.memory_space<vmem>>, vector<1x8x1x1x8x128xf32>,
    %slice3A_114 = vector.extract_strided_slice %transpose3A {offsets = [0, 640], sizes = [128, 128], strides = [1, 1]} : vector<128x8192xf32> to vector<128x128xf32>
    %slice3A_115 = vector.extract_strided_slice %slice3A_114 {offsets = [0, 0], sizes = [64, 128], strides = [1, 1]} : vector<128x128xf32> to vector<64x128xf32>
    %reshape3A_116 = vector.shape_cast %slice3A_115 : vector<64x128xf32> to vector<8x8x128xf32>
    %swap3A_117 = arith.constant 0 : index
    %swap3A_118 = arith.constant 0 : index
    %swap3A_119 = arith.constant 0 : index
    %swap3A_120 = arith.constant 5 : index
    %swap3A_121 = arith.constant 0 : index
    %swap3A_122 = arith.constant 0 : index
    %swap3A_123 = vector.load %arg3[%swap3A_117, %swap3A_118, %swap3A_119, %swap3A_120, %swap3A_121, %swap3A_122] : memref<1x8x2x64x8x128xf32, #tpu.memory_space<vmem>>, vector<1x8x1x1x8x128xf32>
    %swap3A_124 = vector.shape_cast %swap3A_123 : vector<1x8x1x1x8x128xf32> to vector<8x8x128xf32>
    %swap3A_125 = vector.shape_cast %reshape3A_116 : vector<8x8x128xf32> to vector<1x8x1x1x8x128xf32>
    tpu.vector_store %arg3[%swap3A_117, %swap3A_118, %swap3A_119, %swap3A_120, %swap3A_121, %swap3A_122], %swap3A_125 {strides = array<i32>} : memref<1x8x2x64x8x128xf32, #tpu.memory_space<vmem>>, vector<1x8x1x1x8x128xf32>,
    %slice3A_126 = vector.extract_strided_slice %slice3A_114 {offsets = [64, 0], sizes = [64, 128], strides = [1, 1]} : vector<128x128xf32> to vector<64x128xf32>
    %reshape3A_127 = vector.shape_cast %slice3A_126 : vector<64x128xf32> to vector<8x8x128xf32>
    %swap3A_128 = arith.constant 0 : index
    %swap3A_129 = arith.constant 0 : index
    %swap3A_130 = arith.constant 1 : index
    %swap3A_131 = arith.constant 5 : index
    %swap3A_132 = arith.constant 0 : index
    %swap3A_133 = arith.constant 0 : index
    %swap3A_134 = vector.load %arg3[%swap3A_128, %swap3A_129, %swap3A_130, %swap3A_131, %swap3A_132, %swap3A_133] : memref<1x8x2x64x8x128xf32, #tpu.memory_space<vmem>>, vector<1x8x1x1x8x128xf32>
    %swap3A_135 = vector.shape_cast %swap3A_134 : vector<1x8x1x1x8x128xf32> to vector<8x8x128xf32>
    %swap3A_136 = vector.shape_cast %reshape3A_127 : vector<8x8x128xf32> to vector<1x8x1x1x8x128xf32>
    tpu.vector_store %arg3[%swap3A_128, %swap3A_129, %swap3A_130, %swap3A_131, %swap3A_132, %swap3A_133], %swap3A_136 {strides = array<i32>} : memref<1x8x2x64x8x128xf32, #tpu.memory_space<vmem>>, vector<1x8x1x1x8x128xf32>,
    %slice3A_137 = vector.extract_strided_slice %transpose3A {offsets = [0, 768], sizes = [128, 128], strides = [1, 1]} : vector<128x8192xf32> to vector<128x128xf32>
    %slice3A_138 = vector.extract_strided_slice %slice3A_137 {offsets = [0, 0], sizes = [64, 128], strides = [1, 1]} : vector<128x128xf32> to vector<64x128xf32>
    %reshape3A_139 = vector.shape_cast %slice3A_138 : vector<64x128xf32> to vector<8x8x128xf32>
    %swap3A_140 = arith.constant 0 : index
    %swap3A_141 = arith.constant 0 : index
    %swap3A_142 = arith.constant 0 : index
    %swap3A_143 = arith.constant 6 : index
    %swap3A_144 = arith.constant 0 : index
    %swap3A_145 = arith.constant 0 : index
    %swap3A_146 = vector.load %arg3[%swap3A_140, %swap3A_141, %swap3A_142, %swap3A_143, %swap3A_144, %swap3A_145] : memref<1x8x2x64x8x128xf32, #tpu.memory_space<vmem>>, vector<1x8x1x1x8x128xf32>
    %swap3A_147 = vector.shape_cast %swap3A_146 : vector<1x8x1x1x8x128xf32> to vector<8x8x128xf32>
    %swap3A_148 = vector.shape_cast %reshape3A_139 : vector<8x8x128xf32> to vector<1x8x1x1x8x128xf32>
    tpu.vector_store %arg3[%swap3A_140, %swap3A_141, %swap3A_142, %swap3A_143, %swap3A_144, %swap3A_145], %swap3A_148 {strides = array<i32>} : memref<1x8x2x64x8x128xf32, #tpu.memory_space<vmem>>, vector<1x8x1x1x8x128xf32>,
    %slice3A_149 = vector.extract_strided_slice %slice3A_137 {offsets = [64, 0], sizes = [64, 128], strides = [1, 1]} : vector<128x128xf32> to vector<64x128xf32>
    %reshape3A_150 = vector.shape_cast %slice3A_149 : vector<64x128xf32> to vector<8x8x128xf32>
    %swap3A_151 = arith.constant 0 : index
    %swap3A_152 = arith.constant 0 : index
    %swap3A_153 = arith.constant 1 : index
    %swap3A_154 = arith.constant 6 : index
    %swap3A_155 = arith.constant 0 : index
    %swap3A_156 = arith.constant 0 : index
    %swap3A_157 = vector.load %arg3[%swap3A_151, %swap3A_152, %swap3A_153, %swap3A_154, %swap3A_155, %swap3A_156] : memref<1x8x2x64x8x128xf32, #tpu.memory_space<vmem>>, vector<1x8x1x1x8x128xf32>
    %swap3A_158 = vector.shape_cast %swap3A_157 : vector<1x8x1x1x8x128xf32> to vector<8x8x128xf32>
    %swap3A_159 = vector.shape_cast %reshape3A_150 : vector<8x8x128xf32> to vector<1x8x1x1x8x128xf32>
    tpu.vector_store %arg3[%swap3A_151, %swap3A_152, %swap3A_153, %swap3A_154, %swap3A_155, %swap3A_156], %swap3A_159 {strides = array<i32>} : memref<1x8x2x64x8x128xf32, #tpu.memory_space<vmem>>, vector<1x8x1x1x8x128xf32>,
    %slice3A_160 = vector.extract_strided_slice %transpose3A {offsets = [0, 896], sizes = [128, 128], strides = [1, 1]} : vector<128x8192xf32> to vector<128x128xf32>
    %slice3A_161 = vector.extract_strided_slice %slice3A_160 {offsets = [0, 0], sizes = [64, 128], strides = [1, 1]} : vector<128x128xf32> to vector<64x128xf32>
    %reshape3A_162 = vector.shape_cast %slice3A_161 : vector<64x128xf32> to vector<8x8x128xf32>
    %swap3A_163 = arith.constant 0 : index
    %swap3A_164 = arith.constant 0 : index
    %swap3A_165 = arith.constant 0 : index
    %swap3A_166 = arith.constant 7 : index
    %swap3A_167 = arith.constant 0 : index
    %swap3A_168 = arith.constant 0 : index
    %swap3A_169 = vector.load %arg3[%swap3A_163, %swap3A_164, %swap3A_165, %swap3A_166, %swap3A_167, %swap3A_168] : memref<1x8x2x64x8x128xf32, #tpu.memory_space<vmem>>, vector<1x8x1x1x8x128xf32>
    %swap3A_170 = vector.shape_cast %swap3A_169 : vector<1x8x1x1x8x128xf32> to vector<8x8x128xf32>
    %swap3A_171 = vector.shape_cast %reshape3A_162 : vector<8x8x128xf32> to vector<1x8x1x1x8x128xf32>
    tpu.vector_store %arg3[%swap3A_163, %swap3A_164, %swap3A_165, %swap3A_166, %swap3A_167, %swap3A_168], %swap3A_171 {strides = array<i32>} : memref<1x8x2x64x8x128xf32, #tpu.memory_space<vmem>>, vector<1x8x1x1x8x128xf32>,
    %slice3A_172 = vector.extract_strided_slice %slice3A_160 {offsets = [64, 0], sizes = [64, 128], strides = [1, 1]} : vector<128x128xf32> to vector<64x128xf32>
    %reshape3A_173 = vector.shape_cast %slice3A_172 : vector<64x128xf32> to vector<8x8x128xf32>
    %swap3A_174 = arith.constant 0 : index
    %swap3A_175 = arith.constant 0 : index
    %swap3A_176 = arith.constant 1 : index
    %swap3A_177 = arith.constant 7 : index
    %swap3A_178 = arith.constant 0 : index
    %swap3A_179 = arith.constant 0 : index
    %swap3A_180 = vector.load %arg3[%swap3A_174, %swap3A_175, %swap3A_176, %swap3A_177, %swap3A_178, %swap3A_179] : memref<1x8x2x64x8x128xf32, #tpu.memory_space<vmem>>, vector<1x8x1x1x8x128xf32>
    %swap3A_181 = vector.shape_cast %swap3A_180 : vector<1x8x1x1x8x128xf32> to vector<8x8x128xf32>
    %swap3A_182 = vector.shape_cast %reshape3A_173 : vector<8x8x128xf32> to vector<1x8x1x1x8x128xf32>
    tpu.vector_store %arg3[%swap3A_174, %swap3A_175, %swap3A_176, %swap3A_177, %swap3A_178, %swap3A_179], %swap3A_182 {strides = array<i32>} : memref<1x8x2x64x8x128xf32, #tpu.memory_space<vmem>>, vector<1x8x1x1x8x128xf32>,
    %slice3A_183 = vector.extract_strided_slice %transpose3A {offsets = [0, 1024], sizes = [128, 128], strides = [1, 1]} : vector<128x8192xf32> to vector<128x128xf32>
    %slice3A_184 = vector.extract_strided_slice %slice3A_183 {offsets = [0, 0], sizes = [64, 128], strides = [1, 1]} : vector<128x128xf32> to vector<64x128xf32>
    %reshape3A_185 = vector.shape_cast %slice3A_184 : vector<64x128xf32> to vector<8x8x128xf32>
    %swap3A_186 = arith.constant 0 : index
    %swap3A_187 = arith.constant 0 : index
    %swap3A_188 = arith.constant 0 : index
    %swap3A_189 = arith.constant 8 : index
    %swap3A_190 = arith.constant 0 : index
    %swap3A_191 = arith.constant 0 : index
    %swap3A_192 = vector.load %arg3[%swap3A_186, %swap3A_187, %swap3A_188, %swap3A_189, %swap3A_190, %swap3A_191] : memref<1x8x2x64x8x128xf32, #tpu.memory_space<vmem>>, vector<1x8x1x1x8x128xf32>
    %swap3A_193 = vector.shape_cast %swap3A_192 : vector<1x8x1x1x8x128xf32> to vector<8x8x128xf32>
    %swap3A_194 = vector.shape_cast %reshape3A_185 : vector<8x8x128xf32> to vector<1x8x1x1x8x128xf32>
    tpu.vector_store %arg3[%swap3A_186, %swap3A_187, %swap3A_188, %swap3A_189, %swap3A_190, %swap3A_191], %swap3A_194 {strides = array<i32>} : memref<1x8x2x64x8x128xf32, #tpu.memory_space<vmem>>, vector<1x8x1x1x8x128xf32>,
    %slice3A_195 = vector.extract_strided_slice %slice3A_183 {offsets = [64, 0], sizes = [64, 128], strides = [1, 1]} : vector<128x128xf32> to vector<64x128xf32>
    %reshape3A_196 = vector.shape_cast %slice3A_195 : vector<64x128xf32> to vector<8x8x128xf32>
    %swap3A_197 = arith.constant 0 : index
    %swap3A_198 = arith.constant 0 : index
    %swap3A_199 = arith.constant 1 : index
    %swap3A_200 = arith.constant 8 : index
    %swap3A_201 = arith.constant 0 : index
    %swap3A_202 = arith.constant 0 : index
    %swap3A_203 = vector.load %arg3[%swap3A_197, %swap3A_198, %swap3A_199, %swap3A_200, %swap3A_201, %swap3A_202] : memref<1x8x2x64x8x128xf32, #tpu.memory_space<vmem>>, vector<1x8x1x1x8x128xf32>
    %swap3A_204 = vector.shape_cast %swap3A_203 : vector<1x8x1x1x8x128xf32> to vector<8x8x128xf32>
    %swap3A_205 = vector.shape_cast %reshape3A_196 : vector<8x8x128xf32> to vector<1x8x1x1x8x128xf32>
    tpu.vector_store %arg3[%swap3A_197, %swap3A_198, %swap3A_199, %swap3A_200, %swap3A_201, %swap3A_202], %swap3A_205 {strides = array<i32>} : memref<1x8x2x64x8x128xf32, #tpu.memory_space<vmem>>, vector<1x8x1x1x8x128xf32>,
    %slice3A_206 = vector.extract_strided_slice %transpose3A {offsets = [0, 1152], sizes = [128, 128], strides = [1, 1]} : vector<128x8192xf32> to vector<128x128xf32>
    %slice3A_207 = vector.extract_strided_slice %slice3A_206 {offsets = [0, 0], sizes = [64, 128], strides = [1, 1]} : vector<128x128xf32> to vector<64x128xf32>
    %reshape3A_208 = vector.shape_cast %slice3A_207 : vector<64x128xf32> to vector<8x8x128xf32>
    %swap3A_209 = arith.constant 0 : index
    %swap3A_210 = arith.constant 0 : index
    %swap3A_211 = arith.constant 0 : index
    %swap3A_212 = arith.constant 9 : index
    %swap3A_213 = arith.constant 0 : index
    %swap3A_214 = arith.constant 0 : index
    %swap3A_215 = vector.load %arg3[%swap3A_209, %swap3A_210, %swap3A_211, %swap3A_212, %swap3A_213, %swap3A_214] : memref<1x8x2x64x8x128xf32, #tpu.memory_space<vmem>>, vector<1x8x1x1x8x128xf32>
    %swap3A_216 = vector.shape_cast %swap3A_215 : vector<1x8x1x1x8x128xf32> to vector<8x8x128xf32>
    %swap3A_217 = vector.shape_cast %reshape3A_208 : vector<8x8x128xf32> to vector<1x8x1x1x8x128xf32>
    tpu.vector_store %arg3[%swap3A_209, %swap3A_210, %swap3A_211, %swap3A_212, %swap3A_213, %swap3A_214], %swap3A_217 {strides = array<i32>} : memref<1x8x2x64x8x128xf32, #tpu.memory_space<vmem>>, vector<1x8x1x1x8x128xf32>,
    %slice3A_218 = vector.extract_strided_slice %slice3A_206 {offsets = [64, 0], sizes = [64, 128], strides = [1, 1]} : vector<128x128xf32> to vector<64x128xf32>
    %reshape3A_219 = vector.shape_cast %slice3A_218 : vector<64x128xf32> to vector<8x8x128xf32>
    %swap3A_220 = arith.constant 0 : index
    %swap3A_221 = arith.constant 0 : index
    %swap3A_222 = arith.constant 1 : index
    %swap3A_223 = arith.constant 9 : index
    %swap3A_224 = arith.constant 0 : index
    %swap3A_225 = arith.constant 0 : index
    %swap3A_226 = vector.load %arg3[%swap3A_220, %swap3A_221, %swap3A_222, %swap3A_223, %swap3A_224, %swap3A_225] : memref<1x8x2x64x8x128xf32, #tpu.memory_space<vmem>>, vector<1x8x1x1x8x128xf32>
    %swap3A_227 = vector.shape_cast %swap3A_226 : vector<1x8x1x1x8x128xf32> to vector<8x8x128xf32>
    %swap3A_228 = vector.shape_cast %reshape3A_219 : vector<8x8x128xf32> to vector<1x8x1x1x8x128xf32>
    tpu.vector_store %arg3[%swap3A_220, %swap3A_221, %swap3A_222, %swap3A_223, %swap3A_224, %swap3A_225], %swap3A_228 {strides = array<i32>} : memref<1x8x2x64x8x128xf32, #tpu.memory_space<vmem>>, vector<1x8x1x1x8x128xf32>,
    %slice3A_229 = vector.extract_strided_slice %transpose3A {offsets = [0, 1280], sizes = [128, 128], strides = [1, 1]} : vector<128x8192xf32> to vector<128x128xf32>
    %slice3A_230 = vector.extract_strided_slice %slice3A_229 {offsets = [0, 0], sizes = [64, 128], strides = [1, 1]} : vector<128x128xf32> to vector<64x128xf32>
    %reshape3A_231 = vector.shape_cast %slice3A_230 : vector<64x128xf32> to vector<8x8x128xf32>
    %swap3A_232 = arith.constant 0 : index
    %swap3A_233 = arith.constant 0 : index
    %swap3A_234 = arith.constant 0 : index
    %swap3A_235 = arith.constant 10 : index
    %swap3A_236 = arith.constant 0 : index
    %swap3A_237 = arith.constant 0 : index
    %swap3A_238 = vector.load %arg3[%swap3A_232, %swap3A_233, %swap3A_234, %swap3A_235, %swap3A_236, %swap3A_237] : memref<1x8x2x64x8x128xf32, #tpu.memory_space<vmem>>, vector<1x8x1x1x8x128xf32>
    %swap3A_239 = vector.shape_cast %swap3A_238 : vector<1x8x1x1x8x128xf32> to vector<8x8x128xf32>
    %swap3A_240 = vector.shape_cast %reshape3A_231 : vector<8x8x128xf32> to vector<1x8x1x1x8x128xf32>
    tpu.vector_store %arg3[%swap3A_232, %swap3A_233, %swap3A_234, %swap3A_235, %swap3A_236, %swap3A_237], %swap3A_240 {strides = array<i32>} : memref<1x8x2x64x8x128xf32, #tpu.memory_space<vmem>>, vector<1x8x1x1x8x128xf32>,
    %slice3A_241 = vector.extract_strided_slice %slice3A_229 {offsets = [64, 0], sizes = [64, 128], strides = [1, 1]} : vector<128x128xf32> to vector<64x128xf32>
    %reshape3A_242 = vector.shape_cast %slice3A_241 : vector<64x128xf32> to vector<8x8x128xf32>
    %swap3A_243 = arith.constant 0 : index
    %swap3A_244 = arith.constant 0 : index
    %swap3A_245 = arith.constant 1 : index
    %swap3A_246 = arith.constant 10 : index
    %swap3A_247 = arith.constant 0 : index
    %swap3A_248 = arith.constant 0 : index
    %swap3A_249 = vector.load %arg3[%swap3A_243, %swap3A_244, %swap3A_245, %swap3A_246, %swap3A_247, %swap3A_248] : memref<1x8x2x64x8x128xf32, #tpu.memory_space<vmem>>, vector<1x8x1x1x8x128xf32>
    %swap3A_250 = vector.shape_cast %swap3A_249 : vector<1x8x1x1x8x128xf32> to vector<8x8x128xf32>
    %swap3A_251 = vector.shape_cast %reshape3A_242 : vector<8x8x128xf32> to vector<1x8x1x1x8x128xf32>
    tpu.vector_store %arg3[%swap3A_243, %swap3A_244, %swap3A_245, %swap3A_246, %swap3A_247, %swap3A_248], %swap3A_251 {strides = array<i32>} : memref<1x8x2x64x8x128xf32, #tpu.memory_space<vmem>>, vector<1x8x1x1x8x128xf32>,
    %slice3A_252 = vector.extract_strided_slice %transpose3A {offsets = [0, 1408], sizes = [128, 128], strides = [1, 1]} : vector<128x8192xf32> to vector<128x128xf32>
    %slice3A_253 = vector.extract_strided_slice %slice3A_252 {offsets = [0, 0], sizes = [64, 128], strides = [1, 1]} : vector<128x128xf32> to vector<64x128xf32>
    %reshape3A_254 = vector.shape_cast %slice3A_253 : vector<64x128xf32> to vector<8x8x128xf32>
    %swap3A_255 = arith.constant 0 : index
    %swap3A_256 = arith.constant 0 : index
    %swap3A_257 = arith.constant 0 : index
    %swap3A_258 = arith.constant 11 : index
    %swap3A_259 = arith.constant 0 : index
    %swap3A_260 = arith.constant 0 : index
    %swap3A_261 = vector.load %arg3[%swap3A_255, %swap3A_256, %swap3A_257, %swap3A_258, %swap3A_259, %swap3A_260] : memref<1x8x2x64x8x128xf32, #tpu.memory_space<vmem>>, vector<1x8x1x1x8x128xf32>
    %swap3A_262 = vector.shape_cast %swap3A_261 : vector<1x8x1x1x8x128xf32> to vector<8x8x128xf32>
    %swap3A_263 = vector.shape_cast %reshape3A_254 : vector<8x8x128xf32> to vector<1x8x1x1x8x128xf32>
    tpu.vector_store %arg3[%swap3A_255, %swap3A_256, %swap3A_257, %swap3A_258, %swap3A_259, %swap3A_260], %swap3A_263 {strides = array<i32>} : memref<1x8x2x64x8x128xf32, #tpu.memory_space<vmem>>, vector<1x8x1x1x8x128xf32>,
    %slice3A_264 = vector.extract_strided_slice %slice3A_252 {offsets = [64, 0], sizes = [64, 128], strides = [1, 1]} : vector<128x128xf32> to vector<64x128xf32>
    %reshape3A_265 = vector.shape_cast %slice3A_264 : vector<64x128xf32> to vector<8x8x128xf32>
    %swap3A_266 = arith.constant 0 : index
    %swap3A_267 = arith.constant 0 : index
    %swap3A_268 = arith.constant 1 : index
    %swap3A_269 = arith.constant 11 : index
    %swap3A_270 = arith.constant 0 : index
    %swap3A_271 = arith.constant 0 : index
    %swap3A_272 = vector.load %arg3[%swap3A_266, %swap3A_267, %swap3A_268, %swap3A_269, %swap3A_270, %swap3A_271] : memref<1x8x2x64x8x128xf32, #tpu.memory_space<vmem>>, vector<1x8x1x1x8x128xf32>
    %swap3A_273 = vector.shape_cast %swap3A_272 : vector<1x8x1x1x8x128xf32> to vector<8x8x128xf32>
    %swap3A_274 = vector.shape_cast %reshape3A_265 : vector<8x8x128xf32> to vector<1x8x1x1x8x128xf32>
    tpu.vector_store %arg3[%swap3A_266, %swap3A_267, %swap3A_268, %swap3A_269, %swap3A_270, %swap3A_271], %swap3A_274 {strides = array<i32>} : memref<1x8x2x64x8x128xf32, #tpu.memory_space<vmem>>, vector<1x8x1x1x8x128xf32>,
    %slice3A_275 = vector.extract_strided_slice %transpose3A {offsets = [0, 1536], sizes = [128, 128], strides = [1, 1]} : vector<128x8192xf32> to vector<128x128xf32>
    %slice3A_276 = vector.extract_strided_slice %slice3A_275 {offsets = [0, 0], sizes = [64, 128], strides = [1, 1]} : vector<128x128xf32> to vector<64x128xf32>
    %reshape3A_277 = vector.shape_cast %slice3A_276 : vector<64x128xf32> to vector<8x8x128xf32>
    %swap3A_278 = arith.constant 0 : index
    %swap3A_279 = arith.constant 0 : index
    %swap3A_280 = arith.constant 0 : index
    %swap3A_281 = arith.constant 12 : index
    %swap3A_282 = arith.constant 0 : index
    %swap3A_283 = arith.constant 0 : index
    %swap3A_284 = vector.load %arg3[%swap3A_278, %swap3A_279, %swap3A_280, %swap3A_281, %swap3A_282, %swap3A_283] : memref<1x8x2x64x8x128xf32, #tpu.memory_space<vmem>>, vector<1x8x1x1x8x128xf32>
    %swap3A_285 = vector.shape_cast %swap3A_284 : vector<1x8x1x1x8x128xf32> to vector<8x8x128xf32>
    %swap3A_286 = vector.shape_cast %reshape3A_277 : vector<8x8x128xf32> to vector<1x8x1x1x8x128xf32>
    tpu.vector_store %arg3[%swap3A_278, %swap3A_279, %swap3A_280, %swap3A_281, %swap3A_282, %swap3A_283], %swap3A_286 {strides = array<i32>} : memref<1x8x2x64x8x128xf32, #tpu.memory_space<vmem>>, vector<1x8x1x1x8x128xf32>,
    %slice3A_287 = vector.extract_strided_slice %slice3A_275 {offsets = [64, 0], sizes = [64, 128], strides = [1, 1]} : vector<128x128xf32> to vector<64x128xf32>
    %reshape3A_288 = vector.shape_cast %slice3A_287 : vector<64x128xf32> to vector<8x8x128xf32>
    %swap3A_289 = arith.constant 0 : index
    %swap3A_290 = arith.constant 0 : index
    %swap3A_291 = arith.constant 1 : index
    %swap3A_292 = arith.constant 12 : index
    %swap3A_293 = arith.constant 0 : index
    %swap3A_294 = arith.constant 0 : index
    %swap3A_295 = vector.load %arg3[%swap3A_289, %swap3A_290, %swap3A_291, %swap3A_292, %swap3A_293, %swap3A_294] : memref<1x8x2x64x8x128xf32, #tpu.memory_space<vmem>>, vector<1x8x1x1x8x128xf32>
    %swap3A_296 = vector.shape_cast %swap3A_295 : vector<1x8x1x1x8x128xf32> to vector<8x8x128xf32>
    %swap3A_297 = vector.shape_cast %reshape3A_288 : vector<8x8x128xf32> to vector<1x8x1x1x8x128xf32>
    tpu.vector_store %arg3[%swap3A_289, %swap3A_290, %swap3A_291, %swap3A_292, %swap3A_293, %swap3A_294], %swap3A_297 {strides = array<i32>} : memref<1x8x2x64x8x128xf32, #tpu.memory_space<vmem>>, vector<1x8x1x1x8x128xf32>,
    %slice3A_298 = vector.extract_strided_slice %transpose3A {offsets = [0, 1664], sizes = [128, 128], strides = [1, 1]} : vector<128x8192xf32> to vector<128x128xf32>
    %slice3A_299 = vector.extract_strided_slice %slice3A_298 {offsets = [0, 0], sizes = [64, 128], strides = [1, 1]} : vector<128x128xf32> to vector<64x128xf32>
    %reshape3A_300 = vector.shape_cast %slice3A_299 : vector<64x128xf32> to vector<8x8x128xf32>
    %swap3A_301 = arith.constant 0 : index
    %swap3A_302 = arith.constant 0 : index
    %swap3A_303 = arith.constant 0 : index
    %swap3A_304 = arith.constant 13 : index
    %swap3A_305 = arith.constant 0 : index
    %swap3A_306 = arith.constant 0 : index
    %swap3A_307 = vector.load %arg3[%swap3A_301, %swap3A_302, %swap3A_303, %swap3A_304, %swap3A_305, %swap3A_306] : memref<1x8x2x64x8x128xf32, #tpu.memory_space<vmem>>, vector<1x8x1x1x8x128xf32>
    %swap3A_308 = vector.shape_cast %swap3A_307 : vector<1x8x1x1x8x128xf32> to vector<8x8x128xf32>
    %swap3A_309 = vector.shape_cast %reshape3A_300 : vector<8x8x128xf32> to vector<1x8x1x1x8x128xf32>
    tpu.vector_store %arg3[%swap3A_301, %swap3A_302, %swap3A_303, %swap3A_304, %swap3A_305, %swap3A_306], %swap3A_309 {strides = array<i32>} : memref<1x8x2x64x8x128xf32, #tpu.memory_space<vmem>>, vector<1x8x1x1x8x128xf32>,
    %slice3A_310 = vector.extract_strided_slice %slice3A_298 {offsets = [64, 0], sizes = [64, 128], strides = [1, 1]} : vector<128x128xf32> to vector<64x128xf32>
    %reshape3A_311 = vector.shape_cast %slice3A_310 : vector<64x128xf32> to vector<8x8x128xf32>
    %swap3A_312 = arith.constant 0 : index
    %swap3A_313 = arith.constant 0 : index
    %swap3A_314 = arith.constant 1 : index
    %swap3A_315 = arith.constant 13 : index
    %swap3A_316 = arith.constant 0 : index
    %swap3A_317 = arith.constant 0 : index
    %swap3A_318 = vector.load %arg3[%swap3A_312, %swap3A_313, %swap3A_314, %swap3A_315, %swap3A_316, %swap3A_317] : memref<1x8x2x64x8x128xf32, #tpu.memory_space<vmem>>, vector<1x8x1x1x8x128xf32>
    %swap3A_319 = vector.shape_cast %swap3A_318 : vector<1x8x1x1x8x128xf32> to vector<8x8x128xf32>
    %swap3A_320 = vector.shape_cast %reshape3A_311 : vector<8x8x128xf32> to vector<1x8x1x1x8x128xf32>
    tpu.vector_store %arg3[%swap3A_312, %swap3A_313, %swap3A_314, %swap3A_315, %swap3A_316, %swap3A_317], %swap3A_320 {strides = array<i32>} : memref<1x8x2x64x8x128xf32, #tpu.memory_space<vmem>>, vector<1x8x1x1x8x128xf32>,
    %slice3A_321 = vector.extract_strided_slice %transpose3A {offsets = [0, 1792], sizes = [128, 128], strides = [1, 1]} : vector<128x8192xf32> to vector<128x128xf32>
    %slice3A_322 = vector.extract_strided_slice %slice3A_321 {offsets = [0, 0], sizes = [64, 128], strides = [1, 1]} : vector<128x128xf32> to vector<64x128xf32>
    %reshape3A_323 = vector.shape_cast %slice3A_322 : vector<64x128xf32> to vector<8x8x128xf32>
    %swap3A_324 = arith.constant 0 : index
    %swap3A_325 = arith.constant 0 : index
    %swap3A_326 = arith.constant 0 : index
    %swap3A_327 = arith.constant 14 : index
    %swap3A_328 = arith.constant 0 : index
    %swap3A_329 = arith.constant 0 : index
    %swap3A_330 = vector.load %arg3[%swap3A_324, %swap3A_325, %swap3A_326, %swap3A_327, %swap3A_328, %swap3A_329] : memref<1x8x2x64x8x128xf32, #tpu.memory_space<vmem>>, vector<1x8x1x1x8x128xf32>
    %swap3A_331 = vector.shape_cast %swap3A_330 : vector<1x8x1x1x8x128xf32> to vector<8x8x128xf32>
    %swap3A_332 = vector.shape_cast %reshape3A_323 : vector<8x8x128xf32> to vector<1x8x1x1x8x128xf32>
    tpu.vector_store %arg3[%swap3A_324, %swap3A_325, %swap3A_326, %swap3A_327, %swap3A_328, %swap3A_329], %swap3A_332 {strides = array<i32>} : memref<1x8x2x64x8x128xf32, #tpu.memory_space<vmem>>, vector<1x8x1x1x8x128xf32>,
    %slice3A_333 = vector.extract_strided_slice %slice3A_321 {offsets = [64, 0], sizes = [64, 128], strides = [1, 1]} : vector<128x128xf32> to vector<64x128xf32>
    %reshape3A_334 = vector.shape_cast %slice3A_333 : vector<64x128xf32> to vector<8x8x128xf32>
    %swap3A_335 = arith.constant 0 : index
    %swap3A_336 = arith.constant 0 : index
    %swap3A_337 = arith.constant 1 : index
    %swap3A_338 = arith.constant 14 : index
    %swap3A_339 = arith.constant 0 : index
    %swap3A_340 = arith.constant 0 : index
    %swap3A_341 = vector.load %arg3[%swap3A_335, %swap3A_336, %swap3A_337, %swap3A_338, %swap3A_339, %swap3A_340] : memref<1x8x2x64x8x128xf32, #tpu.memory_space<vmem>>, vector<1x8x1x1x8x128xf32>
    %swap3A_342 = vector.shape_cast %swap3A_341 : vector<1x8x1x1x8x128xf32> to vector<8x8x128xf32>
    %swap3A_343 = vector.shape_cast %reshape3A_334 : vector<8x8x128xf32> to vector<1x8x1x1x8x128xf32>
    tpu.vector_store %arg3[%swap3A_335, %swap3A_336, %swap3A_337, %swap3A_338, %swap3A_339, %swap3A_340], %swap3A_343 {strides = array<i32>} : memref<1x8x2x64x8x128xf32, #tpu.memory_space<vmem>>, vector<1x8x1x1x8x128xf32>,
    %slice3A_344 = vector.extract_strided_slice %transpose3A {offsets = [0, 1920], sizes = [128, 128], strides = [1, 1]} : vector<128x8192xf32> to vector<128x128xf32>
    %slice3A_345 = vector.extract_strided_slice %slice3A_344 {offsets = [0, 0], sizes = [64, 128], strides = [1, 1]} : vector<128x128xf32> to vector<64x128xf32>
    %reshape3A_346 = vector.shape_cast %slice3A_345 : vector<64x128xf32> to vector<8x8x128xf32>
    %swap3A_347 = arith.constant 0 : index
    %swap3A_348 = arith.constant 0 : index
    %swap3A_349 = arith.constant 0 : index
    %swap3A_350 = arith.constant 15 : index
    %swap3A_351 = arith.constant 0 : index
    %swap3A_352 = arith.constant 0 : index
    %swap3A_353 = vector.load %arg3[%swap3A_347, %swap3A_348, %swap3A_349, %swap3A_350, %swap3A_351, %swap3A_352] : memref<1x8x2x64x8x128xf32, #tpu.memory_space<vmem>>, vector<1x8x1x1x8x128xf32>
    %swap3A_354 = vector.shape_cast %swap3A_353 : vector<1x8x1x1x8x128xf32> to vector<8x8x128xf32>
    %swap3A_355 = vector.shape_cast %reshape3A_346 : vector<8x8x128xf32> to vector<1x8x1x1x8x128xf32>
    tpu.vector_store %arg3[%swap3A_347, %swap3A_348, %swap3A_349, %swap3A_350, %swap3A_351, %swap3A_352], %swap3A_355 {strides = array<i32>} : memref<1x8x2x64x8x128xf32, #tpu.memory_space<vmem>>, vector<1x8x1x1x8x128xf32>,
    %slice3A_356 = vector.extract_strided_slice %slice3A_344 {offsets = [64, 0], sizes = [64, 128], strides = [1, 1]} : vector<128x128xf32> to vector<64x128xf32>
    %reshape3A_357 = vector.shape_cast %slice3A_356 : vector<64x128xf32> to vector<8x8x128xf32>
    %swap3A_358 = arith.constant 0 : index
    %swap3A_359 = arith.constant 0 : index
    %swap3A_360 = arith.constant 1 : index
    %swap3A_361 = arith.constant 15 : index
    %swap3A_362 = arith.constant 0 : index
    %swap3A_363 = arith.constant 0 : index
    %swap3A_364 = vector.load %arg3[%swap3A_358, %swap3A_359, %swap3A_360, %swap3A_361, %swap3A_362, %swap3A_363] : memref<1x8x2x64x8x128xf32, #tpu.memory_space<vmem>>, vector<1x8x1x1x8x128xf32>
    %swap3A_365 = vector.shape_cast %swap3A_364 : vector<1x8x1x1x8x128xf32> to vector<8x8x128xf32>
    %swap3A_366 = vector.shape_cast %reshape3A_357 : vector<8x8x128xf32> to vector<1x8x1x1x8x128xf32>
    tpu.vector_store %arg3[%swap3A_358, %swap3A_359, %swap3A_360, %swap3A_361, %swap3A_362, %swap3A_363], %swap3A_366 {strides = array<i32>} : memref<1x8x2x64x8x128xf32, #tpu.memory_space<vmem>>, vector<1x8x1x1x8x128xf32>,
    %slice3A_367 = vector.extract_strided_slice %transpose3A {offsets = [0, 2048], sizes = [128, 128], strides = [1, 1]} : vector<128x8192xf32> to vector<128x128xf32>
    %slice3A_368 = vector.extract_strided_slice %slice3A_367 {offsets = [0, 0], sizes = [64, 128], strides = [1, 1]} : vector<128x128xf32> to vector<64x128xf32>
    %reshape3A_369 = vector.shape_cast %slice3A_368 : vector<64x128xf32> to vector<8x8x128xf32>
    %swap3A_370 = arith.constant 0 : index
    %swap3A_371 = arith.constant 0 : index
    %swap3A_372 = arith.constant 0 : index
    %swap3A_373 = arith.constant 16 : index
    %swap3A_374 = arith.constant 0 : index
    %swap3A_375 = arith.constant 0 : index
    %swap3A_376 = vector.load %arg3[%swap3A_370, %swap3A_371, %swap3A_372, %swap3A_373, %swap3A_374, %swap3A_375] : memref<1x8x2x64x8x128xf32, #tpu.memory_space<vmem>>, vector<1x8x1x1x8x128xf32>
    %swap3A_377 = vector.shape_cast %swap3A_376 : vector<1x8x1x1x8x128xf32> to vector<8x8x128xf32>
    %swap3A_378 = vector.shape_cast %reshape3A_369 : vector<8x8x128xf32> to vector<1x8x1x1x8x128xf32>
    tpu.vector_store %arg3[%swap3A_370, %swap3A_371, %swap3A_372, %swap3A_373, %swap3A_374, %swap3A_375], %swap3A_378 {strides = array<i32>} : memref<1x8x2x64x8x128xf32, #tpu.memory_space<vmem>>, vector<1x8x1x1x8x128xf32>,
    %slice3A_379 = vector.extract_strided_slice %slice3A_367 {offsets = [64, 0], sizes = [64, 128], strides = [1, 1]} : vector<128x128xf32> to vector<64x128xf32>
    %reshape3A_380 = vector.shape_cast %slice3A_379 : vector<64x128xf32> to vector<8x8x128xf32>
    %swap3A_381 = arith.constant 0 : index
    %swap3A_382 = arith.constant 0 : index
    %swap3A_383 = arith.constant 1 : index
    %swap3A_384 = arith.constant 16 : index
    %swap3A_385 = arith.constant 0 : index
    %swap3A_386 = arith.constant 0 : index
    %swap3A_387 = vector.load %arg3[%swap3A_381, %swap3A_382, %swap3A_383, %swap3A_384, %swap3A_385, %swap3A_386] : memref<1x8x2x64x8x128xf32, #tpu.memory_space<vmem>>, vector<1x8x1x1x8x128xf32>
    %swap3A_388 = vector.shape_cast %swap3A_387 : vector<1x8x1x1x8x128xf32> to vector<8x8x128xf32>
    %swap3A_389 = vector.shape_cast %reshape3A_380 : vector<8x8x128xf32> to vector<1x8x1x1x8x128xf32>
    tpu.vector_store %arg3[%swap3A_381, %swap3A_382, %swap3A_383, %swap3A_384, %swap3A_385, %swap3A_386], %swap3A_389 {strides = array<i32>} : memref<1x8x2x64x8x128xf32, #tpu.memory_space<vmem>>, vector<1x8x1x1x8x128xf32>,
    %slice3A_390 = vector.extract_strided_slice %transpose3A {offsets = [0, 2176], sizes = [128, 128], strides = [1, 1]} : vector<128x8192xf32> to vector<128x128xf32>
    %slice3A_391 = vector.extract_strided_slice %slice3A_390 {offsets = [0, 0], sizes = [64, 128], strides = [1, 1]} : vector<128x128xf32> to vector<64x128xf32>
    %reshape3A_392 = vector.shape_cast %slice3A_391 : vector<64x128xf32> to vector<8x8x128xf32>
    %swap3A_393 = arith.constant 0 : index
    %swap3A_394 = arith.constant 0 : index
    %swap3A_395 = arith.constant 0 : index
    %swap3A_396 = arith.constant 17 : index
    %swap3A_397 = arith.constant 0 : index
    %swap3A_398 = arith.constant 0 : index
    %swap3A_399 = vector.load %arg3[%swap3A_393, %swap3A_394, %swap3A_395, %swap3A_396, %swap3A_397, %swap3A_398] : memref<1x8x2x64x8x128xf32, #tpu.memory_space<vmem>>, vector<1x8x1x1x8x128xf32>
    %swap3A_400 = vector.shape_cast %swap3A_399 : vector<1x8x1x1x8x128xf32> to vector<8x8x128xf32>
    %swap3A_401 = vector.shape_cast %reshape3A_392 : vector<8x8x128xf32> to vector<1x8x1x1x8x128xf32>
    tpu.vector_store %arg3[%swap3A_393, %swap3A_394, %swap3A_395, %swap3A_396, %swap3A_397, %swap3A_398], %swap3A_401 {strides = array<i32>} : memref<1x8x2x64x8x128xf32, #tpu.memory_space<vmem>>, vector<1x8x1x1x8x128xf32>,
    %slice3A_402 = vector.extract_strided_slice %slice3A_390 {offsets = [64, 0], sizes = [64, 128], strides = [1, 1]} : vector<128x128xf32> to vector<64x128xf32>
    %reshape3A_403 = vector.shape_cast %slice3A_402 : vector<64x128xf32> to vector<8x8x128xf32>
    %swap3A_404 = arith.constant 0 : index
    %swap3A_405 = arith.constant 0 : index
    %swap3A_406 = arith.constant 1 : index
    %swap3A_407 = arith.constant 17 : index
    %swap3A_408 = arith.constant 0 : index
    %swap3A_409 = arith.constant 0 : index
    %swap3A_410 = vector.load %arg3[%swap3A_404, %swap3A_405, %swap3A_406, %swap3A_407, %swap3A_408, %swap3A_409] : memref<1x8x2x64x8x128xf32, #tpu.memory_space<vmem>>, vector<1x8x1x1x8x128xf32>
    %swap3A_411 = vector.shape_cast %swap3A_410 : vector<1x8x1x1x8x128xf32> to vector<8x8x128xf32>
    %swap3A_412 = vector.shape_cast %reshape3A_403 : vector<8x8x128xf32> to vector<1x8x1x1x8x128xf32>
    tpu.vector_store %arg3[%swap3A_404, %swap3A_405, %swap3A_406, %swap3A_407, %swap3A_408, %swap3A_409], %swap3A_412 {strides = array<i32>} : memref<1x8x2x64x8x128xf32, #tpu.memory_space<vmem>>, vector<1x8x1x1x8x128xf32>,
    %slice3A_413 = vector.extract_strided_slice %transpose3A {offsets = [0, 2304], sizes = [128, 128], strides = [1, 1]} : vector<128x8192xf32> to vector<128x128xf32>
    %slice3A_414 = vector.extract_strided_slice %slice3A_413 {offsets = [0, 0], sizes = [64, 128], strides = [1, 1]} : vector<128x128xf32> to vector<64x128xf32>
    %reshape3A_415 = vector.shape_cast %slice3A_414 : vector<64x128xf32> to vector<8x8x128xf32>
    %swap3A_416 = arith.constant 0 : index
    %swap3A_417 = arith.constant 0 : index
    %swap3A_418 = arith.constant 0 : index
    %swap3A_419 = arith.constant 18 : index
    %swap3A_420 = arith.constant 0 : index
    %swap3A_421 = arith.constant 0 : index
    %swap3A_422 = vector.load %arg3[%swap3A_416, %swap3A_417, %swap3A_418, %swap3A_419, %swap3A_420, %swap3A_421] : memref<1x8x2x64x8x128xf32, #tpu.memory_space<vmem>>, vector<1x8x1x1x8x128xf32>
    %swap3A_423 = vector.shape_cast %swap3A_422 : vector<1x8x1x1x8x128xf32> to vector<8x8x128xf32>
    %swap3A_424 = vector.shape_cast %reshape3A_415 : vector<8x8x128xf32> to vector<1x8x1x1x8x128xf32>
    tpu.vector_store %arg3[%swap3A_416, %swap3A_417, %swap3A_418, %swap3A_419, %swap3A_420, %swap3A_421], %swap3A_424 {strides = array<i32>} : memref<1x8x2x64x8x128xf32, #tpu.memory_space<vmem>>, vector<1x8x1x1x8x128xf32>,
    %slice3A_425 = vector.extract_strided_slice %slice3A_413 {offsets = [64, 0], sizes = [64, 128], strides = [1, 1]} : vector<128x128xf32> to vector<64x128xf32>
    %reshape3A_426 = vector.shape_cast %slice3A_425 : vector<64x128xf32> to vector<8x8x128xf32>
    %swap3A_427 = arith.constant 0 : index
    %swap3A_428 = arith.constant 0 : index
    %swap3A_429 = arith.constant 1 : index
    %swap3A_430 = arith.constant 18 : index
    %swap3A_431 = arith.constant 0 : index
    %swap3A_432 = arith.constant 0 : index
    %swap3A_433 = vector.load %arg3[%swap3A_427, %swap3A_428, %swap3A_429, %swap3A_430, %swap3A_431, %swap3A_432] : memref<1x8x2x64x8x128xf32, #tpu.memory_space<vmem>>, vector<1x8x1x1x8x128xf32>
    %swap3A_434 = vector.shape_cast %swap3A_433 : vector<1x8x1x1x8x128xf32> to vector<8x8x128xf32>
    %swap3A_435 = vector.shape_cast %reshape3A_426 : vector<8x8x128xf32> to vector<1x8x1x1x8x128xf32>
    tpu.vector_store %arg3[%swap3A_427, %swap3A_428, %swap3A_429, %swap3A_430, %swap3A_431, %swap3A_432], %swap3A_435 {strides = array<i32>} : memref<1x8x2x64x8x128xf32, #tpu.memory_space<vmem>>, vector<1x8x1x1x8x128xf32>,
    %slice3A_436 = vector.extract_strided_slice %transpose3A {offsets = [0, 2432], sizes = [128, 128], strides = [1, 1]} : vector<128x8192xf32> to vector<128x128xf32>
    %slice3A_437 = vector.extract_strided_slice %slice3A_436 {offsets = [0, 0], sizes = [64, 128], strides = [1, 1]} : vector<128x128xf32> to vector<64x128xf32>
    %reshape3A_438 = vector.shape_cast %slice3A_437 : vector<64x128xf32> to vector<8x8x128xf32>
    %swap3A_439 = arith.constant 0 : index
    %swap3A_440 = arith.constant 0 : index
    %swap3A_441 = arith.constant 0 : index
    %swap3A_442 = arith.constant 19 : index
    %swap3A_443 = arith.constant 0 : index
    %swap3A_444 = arith.constant 0 : index
    %swap3A_445 = vector.load %arg3[%swap3A_439, %swap3A_440, %swap3A_441, %swap3A_442, %swap3A_443, %swap3A_444] : memref<1x8x2x64x8x128xf32, #tpu.memory_space<vmem>>, vector<1x8x1x1x8x128xf32>
    %swap3A_446 = vector.shape_cast %swap3A_445 : vector<1x8x1x1x8x128xf32> to vector<8x8x128xf32>
    %swap3A_447 = vector.shape_cast %reshape3A_438 : vector<8x8x128xf32> to vector<1x8x1x1x8x128xf32>
    tpu.vector_store %arg3[%swap3A_439, %swap3A_440, %swap3A_441, %swap3A_442, %swap3A_443, %swap3A_444], %swap3A_447 {strides = array<i32>} : memref<1x8x2x64x8x128xf32, #tpu.memory_space<vmem>>, vector<1x8x1x1x8x128xf32>,
    %slice3A_448 = vector.extract_strided_slice %slice3A_436 {offsets = [64, 0], sizes = [64, 128], strides = [1, 1]} : vector<128x128xf32> to vector<64x128xf32>
    %reshape3A_449 = vector.shape_cast %slice3A_448 : vector<64x128xf32> to vector<8x8x128xf32>
    %swap3A_450 = arith.constant 0 : index
    %swap3A_451 = arith.constant 0 : index
    %swap3A_452 = arith.constant 1 : index
    %swap3A_453 = arith.constant 19 : index
    %swap3A_454 = arith.constant 0 : index
    %swap3A_455 = arith.constant 0 : index
    %swap3A_456 = vector.load %arg3[%swap3A_450, %swap3A_451, %swap3A_452, %swap3A_453, %swap3A_454, %swap3A_455] : memref<1x8x2x64x8x128xf32, #tpu.memory_space<vmem>>, vector<1x8x1x1x8x128xf32>
    %swap3A_457 = vector.shape_cast %swap3A_456 : vector<1x8x1x1x8x128xf32> to vector<8x8x128xf32>
    %swap3A_458 = vector.shape_cast %reshape3A_449 : vector<8x8x128xf32> to vector<1x8x1x1x8x128xf32>
    tpu.vector_store %arg3[%swap3A_450, %swap3A_451, %swap3A_452, %swap3A_453, %swap3A_454, %swap3A_455], %swap3A_458 {strides = array<i32>} : memref<1x8x2x64x8x128xf32, #tpu.memory_space<vmem>>, vector<1x8x1x1x8x128xf32>,
    %slice3A_459 = vector.extract_strided_slice %transpose3A {offsets = [0, 2560], sizes = [128, 128], strides = [1, 1]} : vector<128x8192xf32> to vector<128x128xf32>
    %slice3A_460 = vector.extract_strided_slice %slice3A_459 {offsets = [0, 0], sizes = [64, 128], strides = [1, 1]} : vector<128x128xf32> to vector<64x128xf32>
    %reshape3A_461 = vector.shape_cast %slice3A_460 : vector<64x128xf32> to vector<8x8x128xf32>
    %swap3A_462 = arith.constant 0 : index
    %swap3A_463 = arith.constant 0 : index
    %swap3A_464 = arith.constant 0 : index
    %swap3A_465 = arith.constant 20 : index
    %swap3A_466 = arith.constant 0 : index
    %swap3A_467 = arith.constant 0 : index
    %swap3A_468 = vector.load %arg3[%swap3A_462, %swap3A_463, %swap3A_464, %swap3A_465, %swap3A_466, %swap3A_467] : memref<1x8x2x64x8x128xf32, #tpu.memory_space<vmem>>, vector<1x8x1x1x8x128xf32>
    %swap3A_469 = vector.shape_cast %swap3A_468 : vector<1x8x1x1x8x128xf32> to vector<8x8x128xf32>
    %swap3A_470 = vector.shape_cast %reshape3A_461 : vector<8x8x128xf32> to vector<1x8x1x1x8x128xf32>
    tpu.vector_store %arg3[%swap3A_462, %swap3A_463, %swap3A_464, %swap3A_465, %swap3A_466, %swap3A_467], %swap3A_470 {strides = array<i32>} : memref<1x8x2x64x8x128xf32, #tpu.memory_space<vmem>>, vector<1x8x1x1x8x128xf32>,
    %slice3A_471 = vector.extract_strided_slice %slice3A_459 {offsets = [64, 0], sizes = [64, 128], strides = [1, 1]} : vector<128x128xf32> to vector<64x128xf32>
    %reshape3A_472 = vector.shape_cast %slice3A_471 : vector<64x128xf32> to vector<8x8x128xf32>
    %swap3A_473 = arith.constant 0 : index
    %swap3A_474 = arith.constant 0 : index
    %swap3A_475 = arith.constant 1 : index
    %swap3A_476 = arith.constant 20 : index
    %swap3A_477 = arith.constant 0 : index
    %swap3A_478 = arith.constant 0 : index
    %swap3A_479 = vector.load %arg3[%swap3A_473, %swap3A_474, %swap3A_475, %swap3A_476, %swap3A_477, %swap3A_478] : memref<1x8x2x64x8x128xf32, #tpu.memory_space<vmem>>, vector<1x8x1x1x8x128xf32>
    %swap3A_480 = vector.shape_cast %swap3A_479 : vector<1x8x1x1x8x128xf32> to vector<8x8x128xf32>
    %swap3A_481 = vector.shape_cast %reshape3A_472 : vector<8x8x128xf32> to vector<1x8x1x1x8x128xf32>
    tpu.vector_store %arg3[%swap3A_473, %swap3A_474, %swap3A_475, %swap3A_476, %swap3A_477, %swap3A_478], %swap3A_481 {strides = array<i32>} : memref<1x8x2x64x8x128xf32, #tpu.memory_space<vmem>>, vector<1x8x1x1x8x128xf32>,
    %slice3A_482 = vector.extract_strided_slice %transpose3A {offsets = [0, 2688], sizes = [128, 128], strides = [1, 1]} : vector<128x8192xf32> to vector<128x128xf32>
    %slice3A_483 = vector.extract_strided_slice %slice3A_482 {offsets = [0, 0], sizes = [64, 128], strides = [1, 1]} : vector<128x128xf32> to vector<64x128xf32>
    %reshape3A_484 = vector.shape_cast %slice3A_483 : vector<64x128xf32> to vector<8x8x128xf32>
    %swap3A_485 = arith.constant 0 : index
    %swap3A_486 = arith.constant 0 : index
    %swap3A_487 = arith.constant 0 : index
    %swap3A_488 = arith.constant 21 : index
    %swap3A_489 = arith.constant 0 : index
    %swap3A_490 = arith.constant 0 : index
    %swap3A_491 = vector.load %arg3[%swap3A_485, %swap3A_486, %swap3A_487, %swap3A_488, %swap3A_489, %swap3A_490] : memref<1x8x2x64x8x128xf32, #tpu.memory_space<vmem>>, vector<1x8x1x1x8x128xf32>
    %swap3A_492 = vector.shape_cast %swap3A_491 : vector<1x8x1x1x8x128xf32> to vector<8x8x128xf32>
    %swap3A_493 = vector.shape_cast %reshape3A_484 : vector<8x8x128xf32> to vector<1x8x1x1x8x128xf32>
    tpu.vector_store %arg3[%swap3A_485, %swap3A_486, %swap3A_487, %swap3A_488, %swap3A_489, %swap3A_490], %swap3A_493 {strides = array<i32>} : memref<1x8x2x64x8x128xf32, #tpu.memory_space<vmem>>, vector<1x8x1x1x8x128xf32>,
    %slice3A_494 = vector.extract_strided_slice %slice3A_482 {offsets = [64, 0], sizes = [64, 128], strides = [1, 1]} : vector<128x128xf32> to vector<64x128xf32>
    %reshape3A_495 = vector.shape_cast %slice3A_494 : vector<64x128xf32> to vector<8x8x128xf32>
    %swap3A_496 = arith.constant 0 : index
    %swap3A_497 = arith.constant 0 : index
    %swap3A_498 = arith.constant 1 : index
    %swap3A_499 = arith.constant 21 : index
    %swap3A_500 = arith.constant 0 : index
    %swap3A_501 = arith.constant 0 : index
    %swap3A_502 = vector.load %arg3[%swap3A_496, %swap3A_497, %swap3A_498, %swap3A_499, %swap3A_500, %swap3A_501] : memref<1x8x2x64x8x128xf32, #tpu.memory_space<vmem>>, vector<1x8x1x1x8x128xf32>
    %swap3A_503 = vector.shape_cast %swap3A_502 : vector<1x8x1x1x8x128xf32> to vector<8x8x128xf32>
    %swap3A_504 = vector.shape_cast %reshape3A_495 : vector<8x8x128xf32> to vector<1x8x1x1x8x128xf32>
    tpu.vector_store %arg3[%swap3A_496, %swap3A_497, %swap3A_498, %swap3A_499, %swap3A_500, %swap3A_501], %swap3A_504 {strides = array<i32>} : memref<1x8x2x64x8x128xf32, #tpu.memory_space<vmem>>, vector<1x8x1x1x8x128xf32>,
    %slice3A_505 = vector.extract_strided_slice %transpose3A {offsets = [0, 2816], sizes = [128, 128], strides = [1, 1]} : vector<128x8192xf32> to vector<128x128xf32>
    %slice3A_506 = vector.extract_strided_slice %slice3A_505 {offsets = [0, 0], sizes = [64, 128], strides = [1, 1]} : vector<128x128xf32> to vector<64x128xf32>
    %reshape3A_507 = vector.shape_cast %slice3A_506 : vector<64x128xf32> to vector<8x8x128xf32>
    %swap3A_508 = arith.constant 0 : index
    %swap3A_509 = arith.constant 0 : index
    %swap3A_510 = arith.constant 0 : index
    %swap3A_511 = arith.constant 22 : index
    %swap3A_512 = arith.constant 0 : index
    %swap3A_513 = arith.constant 0 : index
    %swap3A_514 = vector.load %arg3[%swap3A_508, %swap3A_509, %swap3A_510, %swap3A_511, %swap3A_512, %swap3A_513] : memref<1x8x2x64x8x128xf32, #tpu.memory_space<vmem>>, vector<1x8x1x1x8x128xf32>
    %swap3A_515 = vector.shape_cast %swap3A_514 : vector<1x8x1x1x8x128xf32> to vector<8x8x128xf32>
    %swap3A_516 = vector.shape_cast %reshape3A_507 : vector<8x8x128xf32> to vector<1x8x1x1x8x128xf32>
    tpu.vector_store %arg3[%swap3A_508, %swap3A_509, %swap3A_510, %swap3A_511, %swap3A_512, %swap3A_513], %swap3A_516 {strides = array<i32>} : memref<1x8x2x64x8x128xf32, #tpu.memory_space<vmem>>, vector<1x8x1x1x8x128xf32>,
    %slice3A_517 = vector.extract_strided_slice %slice3A_505 {offsets = [64, 0], sizes = [64, 128], strides = [1, 1]} : vector<128x128xf32> to vector<64x128xf32>
    %reshape3A_518 = vector.shape_cast %slice3A_517 : vector<64x128xf32> to vector<8x8x128xf32>
    %swap3A_519 = arith.constant 0 : index
    %swap3A_520 = arith.constant 0 : index
    %swap3A_521 = arith.constant 1 : index
    %swap3A_522 = arith.constant 22 : index
    %swap3A_523 = arith.constant 0 : index
    %swap3A_524 = arith.constant 0 : index
    %swap3A_525 = vector.load %arg3[%swap3A_519, %swap3A_520, %swap3A_521, %swap3A_522, %swap3A_523, %swap3A_524] : memref<1x8x2x64x8x128xf32, #tpu.memory_space<vmem>>, vector<1x8x1x1x8x128xf32>
    %swap3A_526 = vector.shape_cast %swap3A_525 : vector<1x8x1x1x8x128xf32> to vector<8x8x128xf32>
    %swap3A_527 = vector.shape_cast %reshape3A_518 : vector<8x8x128xf32> to vector<1x8x1x1x8x128xf32>
    tpu.vector_store %arg3[%swap3A_519, %swap3A_520, %swap3A_521, %swap3A_522, %swap3A_523, %swap3A_524], %swap3A_527 {strides = array<i32>} : memref<1x8x2x64x8x128xf32, #tpu.memory_space<vmem>>, vector<1x8x1x1x8x128xf32>,
    %slice3A_528 = vector.extract_strided_slice %transpose3A {offsets = [0, 2944], sizes = [128, 128], strides = [1, 1]} : vector<128x8192xf32> to vector<128x128xf32>
    %slice3A_529 = vector.extract_strided_slice %slice3A_528 {offsets = [0, 0], sizes = [64, 128], strides = [1, 1]} : vector<128x128xf32> to vector<64x128xf32>
    %reshape3A_530 = vector.shape_cast %slice3A_529 : vector<64x128xf32> to vector<8x8x128xf32>
    %swap3A_531 = arith.constant 0 : index
    %swap3A_532 = arith.constant 0 : index
    %swap3A_533 = arith.constant 0 : index
    %swap3A_534 = arith.constant 23 : index
    %swap3A_535 = arith.constant 0 : index
    %swap3A_536 = arith.constant 0 : index
    %swap3A_537 = vector.load %arg3[%swap3A_531, %swap3A_532, %swap3A_533, %swap3A_534, %swap3A_535, %swap3A_536] : memref<1x8x2x64x8x128xf32, #tpu.memory_space<vmem>>, vector<1x8x1x1x8x128xf32>
    %swap3A_538 = vector.shape_cast %swap3A_537 : vector<1x8x1x1x8x128xf32> to vector<8x8x128xf32>
    %swap3A_539 = vector.shape_cast %reshape3A_530 : vector<8x8x128xf32> to vector<1x8x1x1x8x128xf32>
    tpu.vector_store %arg3[%swap3A_531, %swap3A_532, %swap3A_533, %swap3A_534, %swap3A_535, %swap3A_536], %swap3A_539 {strides = array<i32>} : memref<1x8x2x64x8x128xf32, #tpu.memory_space<vmem>>, vector<1x8x1x1x8x128xf32>,
    %slice3A_540 = vector.extract_strided_slice %slice3A_528 {offsets = [64, 0], sizes = [64, 128], strides = [1, 1]} : vector<128x128xf32> to vector<64x128xf32>
    %reshape3A_541 = vector.shape_cast %slice3A_540 : vector<64x128xf32> to vector<8x8x128xf32>
    %swap3A_542 = arith.constant 0 : index
    %swap3A_543 = arith.constant 0 : index
    %swap3A_544 = arith.constant 1 : index
    %swap3A_545 = arith.constant 23 : index
    %swap3A_546 = arith.constant 0 : index
    %swap3A_547 = arith.constant 0 : index
    %swap3A_548 = vector.load %arg3[%swap3A_542, %swap3A_543, %swap3A_544, %swap3A_545, %swap3A_546, %swap3A_547] : memref<1x8x2x64x8x128xf32, #tpu.memory_space<vmem>>, vector<1x8x1x1x8x128xf32>
    %swap3A_549 = vector.shape_cast %swap3A_548 : vector<1x8x1x1x8x128xf32> to vector<8x8x128xf32>
    %swap3A_550 = vector.shape_cast %reshape3A_541 : vector<8x8x128xf32> to vector<1x8x1x1x8x128xf32>
    tpu.vector_store %arg3[%swap3A_542, %swap3A_543, %swap3A_544, %swap3A_545, %swap3A_546, %swap3A_547], %swap3A_550 {strides = array<i32>} : memref<1x8x2x64x8x128xf32, #tpu.memory_space<vmem>>, vector<1x8x1x1x8x128xf32>,
    %slice3A_551 = vector.extract_strided_slice %transpose3A {offsets = [0, 3072], sizes = [128, 128], strides = [1, 1]} : vector<128x8192xf32> to vector<128x128xf32>
    %slice3A_552 = vector.extract_strided_slice %slice3A_551 {offsets = [0, 0], sizes = [64, 128], strides = [1, 1]} : vector<128x128xf32> to vector<64x128xf32>
    %reshape3A_553 = vector.shape_cast %slice3A_552 : vector<64x128xf32> to vector<8x8x128xf32>
    %swap3A_554 = arith.constant 0 : index
    %swap3A_555 = arith.constant 0 : index
    %swap3A_556 = arith.constant 0 : index
    %swap3A_557 = arith.constant 24 : index
    %swap3A_558 = arith.constant 0 : index
    %swap3A_559 = arith.constant 0 : index
    %swap3A_560 = vector.load %arg3[%swap3A_554, %swap3A_555, %swap3A_556, %swap3A_557, %swap3A_558, %swap3A_559] : memref<1x8x2x64x8x128xf32, #tpu.memory_space<vmem>>, vector<1x8x1x1x8x128xf32>
    %swap3A_561 = vector.shape_cast %swap3A_560 : vector<1x8x1x1x8x128xf32> to vector<8x8x128xf32>
    %swap3A_562 = vector.shape_cast %reshape3A_553 : vector<8x8x128xf32> to vector<1x8x1x1x8x128xf32>
    tpu.vector_store %arg3[%swap3A_554, %swap3A_555, %swap3A_556, %swap3A_557, %swap3A_558, %swap3A_559], %swap3A_562 {strides = array<i32>} : memref<1x8x2x64x8x128xf32, #tpu.memory_space<vmem>>, vector<1x8x1x1x8x128xf32>,
    %slice3A_563 = vector.extract_strided_slice %slice3A_551 {offsets = [64, 0], sizes = [64, 128], strides = [1, 1]} : vector<128x128xf32> to vector<64x128xf32>
    %reshape3A_564 = vector.shape_cast %slice3A_563 : vector<64x128xf32> to vector<8x8x128xf32>
    %swap3A_565 = arith.constant 0 : index
    %swap3A_566 = arith.constant 0 : index
    %swap3A_567 = arith.constant 1 : index
    %swap3A_568 = arith.constant 24 : index
    %swap3A_569 = arith.constant 0 : index
    %swap3A_570 = arith.constant 0 : index
    %swap3A_571 = vector.load %arg3[%swap3A_565, %swap3A_566, %swap3A_567, %swap3A_568, %swap3A_569, %swap3A_570] : memref<1x8x2x64x8x128xf32, #tpu.memory_space<vmem>>, vector<1x8x1x1x8x128xf32>
    %swap3A_572 = vector.shape_cast %swap3A_571 : vector<1x8x1x1x8x128xf32> to vector<8x8x128xf32>
    %swap3A_573 = vector.shape_cast %reshape3A_564 : vector<8x8x128xf32> to vector<1x8x1x1x8x128xf32>
    tpu.vector_store %arg3[%swap3A_565, %swap3A_566, %swap3A_567, %swap3A_568, %swap3A_569, %swap3A_570], %swap3A_573 {strides = array<i32>} : memref<1x8x2x64x8x128xf32, #tpu.memory_space<vmem>>, vector<1x8x1x1x8x128xf32>,
    %slice3A_574 = vector.extract_strided_slice %transpose3A {offsets = [0, 3200], sizes = [128, 128], strides = [1, 1]} : vector<128x8192xf32> to vector<128x128xf32>
    %slice3A_575 = vector.extract_strided_slice %slice3A_574 {offsets = [0, 0], sizes = [64, 128], strides = [1, 1]} : vector<128x128xf32> to vector<64x128xf32>
    %reshape3A_576 = vector.shape_cast %slice3A_575 : vector<64x128xf32> to vector<8x8x128xf32>
    %swap3A_577 = arith.constant 0 : index
    %swap3A_578 = arith.constant 0 : index
    %swap3A_579 = arith.constant 0 : index
    %swap3A_580 = arith.constant 25 : index
    %swap3A_581 = arith.constant 0 : index
    %swap3A_582 = arith.constant 0 : index
    %swap3A_583 = vector.load %arg3[%swap3A_577, %swap3A_578, %swap3A_579, %swap3A_580, %swap3A_581, %swap3A_582] : memref<1x8x2x64x8x128xf32, #tpu.memory_space<vmem>>, vector<1x8x1x1x8x128xf32>
    %swap3A_584 = vector.shape_cast %swap3A_583 : vector<1x8x1x1x8x128xf32> to vector<8x8x128xf32>
    %swap3A_585 = vector.shape_cast %reshape3A_576 : vector<8x8x128xf32> to vector<1x8x1x1x8x128xf32>
    tpu.vector_store %arg3[%swap3A_577, %swap3A_578, %swap3A_579, %swap3A_580, %swap3A_581, %swap3A_582], %swap3A_585 {strides = array<i32>} : memref<1x8x2x64x8x128xf32, #tpu.memory_space<vmem>>, vector<1x8x1x1x8x128xf32>,
    %slice3A_586 = vector.extract_strided_slice %slice3A_574 {offsets = [64, 0], sizes = [64, 128], strides = [1, 1]} : vector<128x128xf32> to vector<64x128xf32>
    %reshape3A_587 = vector.shape_cast %slice3A_586 : vector<64x128xf32> to vector<8x8x128xf32>
    %swap3A_588 = arith.constant 0 : index
    %swap3A_589 = arith.constant 0 : index
    %swap3A_590 = arith.constant 1 : index
    %swap3A_591 = arith.constant 25 : index
    %swap3A_592 = arith.constant 0 : index
    %swap3A_593 = arith.constant 0 : index
    %swap3A_594 = vector.load %arg3[%swap3A_588, %swap3A_589, %swap3A_590, %swap3A_591, %swap3A_592, %swap3A_593] : memref<1x8x2x64x8x128xf32, #tpu.memory_space<vmem>>, vector<1x8x1x1x8x128xf32>
    %swap3A_595 = vector.shape_cast %swap3A_594 : vector<1x8x1x1x8x128xf32> to vector<8x8x128xf32>
    %swap3A_596 = vector.shape_cast %reshape3A_587 : vector<8x8x128xf32> to vector<1x8x1x1x8x128xf32>
    tpu.vector_store %arg3[%swap3A_588, %swap3A_589, %swap3A_590, %swap3A_591, %swap3A_592, %swap3A_593], %swap3A_596 {strides = array<i32>} : memref<1x8x2x64x8x128xf32, #tpu.memory_space<vmem>>, vector<1x8x1x1x8x128xf32>,
    %slice3A_597 = vector.extract_strided_slice %transpose3A {offsets = [0, 3328], sizes = [128, 128], strides = [1, 1]} : vector<128x8192xf32> to vector<128x128xf32>
    %slice3A_598 = vector.extract_strided_slice %slice3A_597 {offsets = [0, 0], sizes = [64, 128], strides = [1, 1]} : vector<128x128xf32> to vector<64x128xf32>
    %reshape3A_599 = vector.shape_cast %slice3A_598 : vector<64x128xf32> to vector<8x8x128xf32>
    %swap3A_600 = arith.constant 0 : index
    %swap3A_601 = arith.constant 0 : index
    %swap3A_602 = arith.constant 0 : index
    %swap3A_603 = arith.constant 26 : index
    %swap3A_604 = arith.constant 0 : index
    %swap3A_605 = arith.constant 0 : index
    %swap3A_606 = vector.load %arg3[%swap3A_600, %swap3A_601, %swap3A_602, %swap3A_603, %swap3A_604, %swap3A_605] : memref<1x8x2x64x8x128xf32, #tpu.memory_space<vmem>>, vector<1x8x1x1x8x128xf32>
    %swap3A_607 = vector.shape_cast %swap3A_606 : vector<1x8x1x1x8x128xf32> to vector<8x8x128xf32>
    %swap3A_608 = vector.shape_cast %reshape3A_599 : vector<8x8x128xf32> to vector<1x8x1x1x8x128xf32>
    tpu.vector_store %arg3[%swap3A_600, %swap3A_601, %swap3A_602, %swap3A_603, %swap3A_604, %swap3A_605], %swap3A_608 {strides = array<i32>} : memref<1x8x2x64x8x128xf32, #tpu.memory_space<vmem>>, vector<1x8x1x1x8x128xf32>,
    %slice3A_609 = vector.extract_strided_slice %slice3A_597 {offsets = [64, 0], sizes = [64, 128], strides = [1, 1]} : vector<128x128xf32> to vector<64x128xf32>
    %reshape3A_610 = vector.shape_cast %slice3A_609 : vector<64x128xf32> to vector<8x8x128xf32>
    %swap3A_611 = arith.constant 0 : index
    %swap3A_612 = arith.constant 0 : index
    %swap3A_613 = arith.constant 1 : index
    %swap3A_614 = arith.constant 26 : index
    %swap3A_615 = arith.constant 0 : index
    %swap3A_616 = arith.constant 0 : index
    %swap3A_617 = vector.load %arg3[%swap3A_611, %swap3A_612, %swap3A_613, %swap3A_614, %swap3A_615, %swap3A_616] : memref<1x8x2x64x8x128xf32, #tpu.memory_space<vmem>>, vector<1x8x1x1x8x128xf32>
    %swap3A_618 = vector.shape_cast %swap3A_617 : vector<1x8x1x1x8x128xf32> to vector<8x8x128xf32>
    %swap3A_619 = vector.shape_cast %reshape3A_610 : vector<8x8x128xf32> to vector<1x8x1x1x8x128xf32>
    tpu.vector_store %arg3[%swap3A_611, %swap3A_612, %swap3A_613, %swap3A_614, %swap3A_615, %swap3A_616], %swap3A_619 {strides = array<i32>} : memref<1x8x2x64x8x128xf32, #tpu.memory_space<vmem>>, vector<1x8x1x1x8x128xf32>,
    %slice3A_620 = vector.extract_strided_slice %transpose3A {offsets = [0, 3456], sizes = [128, 128], strides = [1, 1]} : vector<128x8192xf32> to vector<128x128xf32>
    %slice3A_621 = vector.extract_strided_slice %slice3A_620 {offsets = [0, 0], sizes = [64, 128], strides = [1, 1]} : vector<128x128xf32> to vector<64x128xf32>
    %reshape3A_622 = vector.shape_cast %slice3A_621 : vector<64x128xf32> to vector<8x8x128xf32>
    %swap3A_623 = arith.constant 0 : index
    %swap3A_624 = arith.constant 0 : index
    %swap3A_625 = arith.constant 0 : index
    %swap3A_626 = arith.constant 27 : index
    %swap3A_627 = arith.constant 0 : index
    %swap3A_628 = arith.constant 0 : index
    %swap3A_629 = vector.load %arg3[%swap3A_623, %swap3A_624, %swap3A_625, %swap3A_626, %swap3A_627, %swap3A_628] : memref<1x8x2x64x8x128xf32, #tpu.memory_space<vmem>>, vector<1x8x1x1x8x128xf32>
    %swap3A_630 = vector.shape_cast %swap3A_629 : vector<1x8x1x1x8x128xf32> to vector<8x8x128xf32>
    %swap3A_631 = vector.shape_cast %reshape3A_622 : vector<8x8x128xf32> to vector<1x8x1x1x8x128xf32>
    tpu.vector_store %arg3[%swap3A_623, %swap3A_624, %swap3A_625, %swap3A_626, %swap3A_627, %swap3A_628], %swap3A_631 {strides = array<i32>} : memref<1x8x2x64x8x128xf32, #tpu.memory_space<vmem>>, vector<1x8x1x1x8x128xf32>,
    %slice3A_632 = vector.extract_strided_slice %slice3A_620 {offsets = [64, 0], sizes = [64, 128], strides = [1, 1]} : vector<128x128xf32> to vector<64x128xf32>
    %reshape3A_633 = vector.shape_cast %slice3A_632 : vector<64x128xf32> to vector<8x8x128xf32>
    %swap3A_634 = arith.constant 0 : index
    %swap3A_635 = arith.constant 0 : index
    %swap3A_636 = arith.constant 1 : index
    %swap3A_637 = arith.constant 27 : index
    %swap3A_638 = arith.constant 0 : index
    %swap3A_639 = arith.constant 0 : index
    %swap3A_640 = vector.load %arg3[%swap3A_634, %swap3A_635, %swap3A_636, %swap3A_637, %swap3A_638, %swap3A_639] : memref<1x8x2x64x8x128xf32, #tpu.memory_space<vmem>>, vector<1x8x1x1x8x128xf32>
    %swap3A_641 = vector.shape_cast %swap3A_640 : vector<1x8x1x1x8x128xf32> to vector<8x8x128xf32>
    %swap3A_642 = vector.shape_cast %reshape3A_633 : vector<8x8x128xf32> to vector<1x8x1x1x8x128xf32>
    tpu.vector_store %arg3[%swap3A_634, %swap3A_635, %swap3A_636, %swap3A_637, %swap3A_638, %swap3A_639], %swap3A_642 {strides = array<i32>} : memref<1x8x2x64x8x128xf32, #tpu.memory_space<vmem>>, vector<1x8x1x1x8x128xf32>,
    %slice3A_643 = vector.extract_strided_slice %transpose3A {offsets = [0, 3584], sizes = [128, 128], strides = [1, 1]} : vector<128x8192xf32> to vector<128x128xf32>
    %slice3A_644 = vector.extract_strided_slice %slice3A_643 {offsets = [0, 0], sizes = [64, 128], strides = [1, 1]} : vector<128x128xf32> to vector<64x128xf32>
    %reshape3A_645 = vector.shape_cast %slice3A_644 : vector<64x128xf32> to vector<8x8x128xf32>
    %swap3A_646 = arith.constant 0 : index
    %swap3A_647 = arith.constant 0 : index
    %swap3A_648 = arith.constant 0 : index
    %swap3A_649 = arith.constant 28 : index
    %swap3A_650 = arith.constant 0 : index
    %swap3A_651 = arith.constant 0 : index
    %swap3A_652 = vector.load %arg3[%swap3A_646, %swap3A_647, %swap3A_648, %swap3A_649, %swap3A_650, %swap3A_651] : memref<1x8x2x64x8x128xf32, #tpu.memory_space<vmem>>, vector<1x8x1x1x8x128xf32>
    %swap3A_653 = vector.shape_cast %swap3A_652 : vector<1x8x1x1x8x128xf32> to vector<8x8x128xf32>
    %swap3A_654 = vector.shape_cast %reshape3A_645 : vector<8x8x128xf32> to vector<1x8x1x1x8x128xf32>
    tpu.vector_store %arg3[%swap3A_646, %swap3A_647, %swap3A_648, %swap3A_649, %swap3A_650, %swap3A_651], %swap3A_654 {strides = array<i32>} : memref<1x8x2x64x8x128xf32, #tpu.memory_space<vmem>>, vector<1x8x1x1x8x128xf32>,
    %slice3A_655 = vector.extract_strided_slice %slice3A_643 {offsets = [64, 0], sizes = [64, 128], strides = [1, 1]} : vector<128x128xf32> to vector<64x128xf32>
    %reshape3A_656 = vector.shape_cast %slice3A_655 : vector<64x128xf32> to vector<8x8x128xf32>
    %swap3A_657 = arith.constant 0 : index
    %swap3A_658 = arith.constant 0 : index
    %swap3A_659 = arith.constant 1 : index
    %swap3A_660 = arith.constant 28 : index
    %swap3A_661 = arith.constant 0 : index
    %swap3A_662 = arith.constant 0 : index
    %swap3A_663 = vector.load %arg3[%swap3A_657, %swap3A_658, %swap3A_659, %swap3A_660, %swap3A_661, %swap3A_662] : memref<1x8x2x64x8x128xf32, #tpu.memory_space<vmem>>, vector<1x8x1x1x8x128xf32>
    %swap3A_664 = vector.shape_cast %swap3A_663 : vector<1x8x1x1x8x128xf32> to vector<8x8x128xf32>
    %swap3A_665 = vector.shape_cast %reshape3A_656 : vector<8x8x128xf32> to vector<1x8x1x1x8x128xf32>
    tpu.vector_store %arg3[%swap3A_657, %swap3A_658, %swap3A_659, %swap3A_660, %swap3A_661, %swap3A_662], %swap3A_665 {strides = array<i32>} : memref<1x8x2x64x8x128xf32, #tpu.memory_space<vmem>>, vector<1x8x1x1x8x128xf32>,
    %slice3A_666 = vector.extract_strided_slice %transpose3A {offsets = [0, 3712], sizes = [128, 128], strides = [1, 1]} : vector<128x8192xf32> to vector<128x128xf32>
    %slice3A_667 = vector.extract_strided_slice %slice3A_666 {offsets = [0, 0], sizes = [64, 128], strides = [1, 1]} : vector<128x128xf32> to vector<64x128xf32>
    %reshape3A_668 = vector.shape_cast %slice3A_667 : vector<64x128xf32> to vector<8x8x128xf32>
    %swap3A_669 = arith.constant 0 : index
    %swap3A_670 = arith.constant 0 : index
    %swap3A_671 = arith.constant 0 : index
    %swap3A_672 = arith.constant 29 : index
    %swap3A_673 = arith.constant 0 : index
    %swap3A_674 = arith.constant 0 : index
    %swap3A_675 = vector.load %arg3[%swap3A_669, %swap3A_670, %swap3A_671, %swap3A_672, %swap3A_673, %swap3A_674] : memref<1x8x2x64x8x128xf32, #tpu.memory_space<vmem>>, vector<1x8x1x1x8x128xf32>
    %swap3A_676 = vector.shape_cast %swap3A_675 : vector<1x8x1x1x8x128xf32> to vector<8x8x128xf32>
    %swap3A_677 = vector.shape_cast %reshape3A_668 : vector<8x8x128xf32> to vector<1x8x1x1x8x128xf32>
    tpu.vector_store %arg3[%swap3A_669, %swap3A_670, %swap3A_671, %swap3A_672, %swap3A_673, %swap3A_674], %swap3A_677 {strides = array<i32>} : memref<1x8x2x64x8x128xf32, #tpu.memory_space<vmem>>, vector<1x8x1x1x8x128xf32>,
    %slice3A_678 = vector.extract_strided_slice %slice3A_666 {offsets = [64, 0], sizes = [64, 128], strides = [1, 1]} : vector<128x128xf32> to vector<64x128xf32>
    %reshape3A_679 = vector.shape_cast %slice3A_678 : vector<64x128xf32> to vector<8x8x128xf32>
    %swap3A_680 = arith.constant 0 : index
    %swap3A_681 = arith.constant 0 : index
    %swap3A_682 = arith.constant 1 : index
    %swap3A_683 = arith.constant 29 : index
    %swap3A_684 = arith.constant 0 : index
    %swap3A_685 = arith.constant 0 : index
    %swap3A_686 = vector.load %arg3[%swap3A_680, %swap3A_681, %swap3A_682, %swap3A_683, %swap3A_684, %swap3A_685] : memref<1x8x2x64x8x128xf32, #tpu.memory_space<vmem>>, vector<1x8x1x1x8x128xf32>
    %swap3A_687 = vector.shape_cast %swap3A_686 : vector<1x8x1x1x8x128xf32> to vector<8x8x128xf32>
    %swap3A_688 = vector.shape_cast %reshape3A_679 : vector<8x8x128xf32> to vector<1x8x1x1x8x128xf32>
    tpu.vector_store %arg3[%swap3A_680, %swap3A_681, %swap3A_682, %swap3A_683, %swap3A_684, %swap3A_685], %swap3A_688 {strides = array<i32>} : memref<1x8x2x64x8x128xf32, #tpu.memory_space<vmem>>, vector<1x8x1x1x8x128xf32>,
    %slice3A_689 = vector.extract_strided_slice %transpose3A {offsets = [0, 3840], sizes = [128, 128], strides = [1, 1]} : vector<128x8192xf32> to vector<128x128xf32>
    %slice3A_690 = vector.extract_strided_slice %slice3A_689 {offsets = [0, 0], sizes = [64, 128], strides = [1, 1]} : vector<128x128xf32> to vector<64x128xf32>
    %reshape3A_691 = vector.shape_cast %slice3A_690 : vector<64x128xf32> to vector<8x8x128xf32>
    %swap3A_692 = arith.constant 0 : index
    %swap3A_693 = arith.constant 0 : index
    %swap3A_694 = arith.constant 0 : index
    %swap3A_695 = arith.constant 30 : index
    %swap3A_696 = arith.constant 0 : index
    %swap3A_697 = arith.constant 0 : index
    %swap3A_698 = vector.load %arg3[%swap3A_692, %swap3A_693, %swap3A_694, %swap3A_695, %swap3A_696, %swap3A_697] : memref<1x8x2x64x8x128xf32, #tpu.memory_space<vmem>>, vector<1x8x1x1x8x128xf32>
    %swap3A_699 = vector.shape_cast %swap3A_698 : vector<1x8x1x1x8x128xf32> to vector<8x8x128xf32>
    %swap3A_700 = vector.shape_cast %reshape3A_691 : vector<8x8x128xf32> to vector<1x8x1x1x8x128xf32>
    tpu.vector_store %arg3[%swap3A_692, %swap3A_693, %swap3A_694, %swap3A_695, %swap3A_696, %swap3A_697], %swap3A_700 {strides = array<i32>} : memref<1x8x2x64x8x128xf32, #tpu.memory_space<vmem>>, vector<1x8x1x1x8x128xf32>,
    %slice3A_701 = vector.extract_strided_slice %slice3A_689 {offsets = [64, 0], sizes = [64, 128], strides = [1, 1]} : vector<128x128xf32> to vector<64x128xf32>
    %reshape3A_702 = vector.shape_cast %slice3A_701 : vector<64x128xf32> to vector<8x8x128xf32>
    %swap3A_703 = arith.constant 0 : index
    %swap3A_704 = arith.constant 0 : index
    %swap3A_705 = arith.constant 1 : index
    %swap3A_706 = arith.constant 30 : index
    %swap3A_707 = arith.constant 0 : index
    %swap3A_708 = arith.constant 0 : index
    %swap3A_709 = vector.load %arg3[%swap3A_703, %swap3A_704, %swap3A_705, %swap3A_706, %swap3A_707, %swap3A_708] : memref<1x8x2x64x8x128xf32, #tpu.memory_space<vmem>>, vector<1x8x1x1x8x128xf32>
    %swap3A_710 = vector.shape_cast %swap3A_709 : vector<1x8x1x1x8x128xf32> to vector<8x8x128xf32>
    %swap3A_711 = vector.shape_cast %reshape3A_702 : vector<8x8x128xf32> to vector<1x8x1x1x8x128xf32>
    tpu.vector_store %arg3[%swap3A_703, %swap3A_704, %swap3A_705, %swap3A_706, %swap3A_707, %swap3A_708], %swap3A_711 {strides = array<i32>} : memref<1x8x2x64x8x128xf32, #tpu.memory_space<vmem>>, vector<1x8x1x1x8x128xf32>,
    %slice3A_712 = vector.extract_strided_slice %transpose3A {offsets = [0, 3968], sizes = [128, 128], strides = [1, 1]} : vector<128x8192xf32> to vector<128x128xf32>
    %slice3A_713 = vector.extract_strided_slice %slice3A_712 {offsets = [0, 0], sizes = [64, 128], strides = [1, 1]} : vector<128x128xf32> to vector<64x128xf32>
    %reshape3A_714 = vector.shape_cast %slice3A_713 : vector<64x128xf32> to vector<8x8x128xf32>
    %swap3A_715 = arith.constant 0 : index
    %swap3A_716 = arith.constant 0 : index
    %swap3A_717 = arith.constant 0 : index
    %swap3A_718 = arith.constant 31 : index
    %swap3A_719 = arith.constant 0 : index
    %swap3A_720 = arith.constant 0 : index
    %swap3A_721 = vector.load %arg3[%swap3A_715, %swap3A_716, %swap3A_717, %swap3A_718, %swap3A_719, %swap3A_720] : memref<1x8x2x64x8x128xf32, #tpu.memory_space<vmem>>, vector<1x8x1x1x8x128xf32>
    %swap3A_722 = vector.shape_cast %swap3A_721 : vector<1x8x1x1x8x128xf32> to vector<8x8x128xf32>
    %swap3A_723 = vector.shape_cast %reshape3A_714 : vector<8x8x128xf32> to vector<1x8x1x1x8x128xf32>
    tpu.vector_store %arg3[%swap3A_715, %swap3A_716, %swap3A_717, %swap3A_718, %swap3A_719, %swap3A_720], %swap3A_723 {strides = array<i32>} : memref<1x8x2x64x8x128xf32, #tpu.memory_space<vmem>>, vector<1x8x1x1x8x128xf32>,
    %slice3A_724 = vector.extract_strided_slice %slice3A_712 {offsets = [64, 0], sizes = [64, 128], strides = [1, 1]} : vector<128x128xf32> to vector<64x128xf32>
    %reshape3A_725 = vector.shape_cast %slice3A_724 : vector<64x128xf32> to vector<8x8x128xf32>
    %swap3A_726 = arith.constant 0 : index
    %swap3A_727 = arith.constant 0 : index
    %swap3A_728 = arith.constant 1 : index
    %swap3A_729 = arith.constant 31 : index
    %swap3A_730 = arith.constant 0 : index
    %swap3A_731 = arith.constant 0 : index
    %swap3A_732 = vector.load %arg3[%swap3A_726, %swap3A_727, %swap3A_728, %swap3A_729, %swap3A_730, %swap3A_731] : memref<1x8x2x64x8x128xf32, #tpu.memory_space<vmem>>, vector<1x8x1x1x8x128xf32>
    %swap3A_733 = vector.shape_cast %swap3A_732 : vector<1x8x1x1x8x128xf32> to vector<8x8x128xf32>
    %swap3A_734 = vector.shape_cast %reshape3A_725 : vector<8x8x128xf32> to vector<1x8x1x1x8x128xf32>
    tpu.vector_store %arg3[%swap3A_726, %swap3A_727, %swap3A_728, %swap3A_729, %swap3A_730, %swap3A_731], %swap3A_734 {strides = array<i32>} : memref<1x8x2x64x8x128xf32, #tpu.memory_space<vmem>>, vector<1x8x1x1x8x128xf32>,
    %slice3A_735 = vector.extract_strided_slice %transpose3A {offsets = [0, 4096], sizes = [128, 128], strides = [1, 1]} : vector<128x8192xf32> to vector<128x128xf32>
    %slice3A_736 = vector.extract_strided_slice %slice3A_735 {offsets = [0, 0], sizes = [64, 128], strides = [1, 1]} : vector<128x128xf32> to vector<64x128xf32>
    %reshape3A_737 = vector.shape_cast %slice3A_736 : vector<64x128xf32> to vector<8x8x128xf32>
    %swap3A_738 = arith.constant 0 : index
    %swap3A_739 = arith.constant 0 : index
    %swap3A_740 = arith.constant 0 : index
    %swap3A_741 = arith.constant 32 : index
    %swap3A_742 = arith.constant 0 : index
    %swap3A_743 = arith.constant 0 : index
    %swap3A_744 = vector.load %arg3[%swap3A_738, %swap3A_739, %swap3A_740, %swap3A_741, %swap3A_742, %swap3A_743] : memref<1x8x2x64x8x128xf32, #tpu.memory_space<vmem>>, vector<1x8x1x1x8x128xf32>
    %swap3A_745 = vector.shape_cast %swap3A_744 : vector<1x8x1x1x8x128xf32> to vector<8x8x128xf32>
    %swap3A_746 = vector.shape_cast %reshape3A_737 : vector<8x8x128xf32> to vector<1x8x1x1x8x128xf32>
    tpu.vector_store %arg3[%swap3A_738, %swap3A_739, %swap3A_740, %swap3A_741, %swap3A_742, %swap3A_743], %swap3A_746 {strides = array<i32>} : memref<1x8x2x64x8x128xf32, #tpu.memory_space<vmem>>, vector<1x8x1x1x8x128xf32>,
    %slice3A_747 = vector.extract_strided_slice %slice3A_735 {offsets = [64, 0], sizes = [64, 128], strides = [1, 1]} : vector<128x128xf32> to vector<64x128xf32>
    %reshape3A_748 = vector.shape_cast %slice3A_747 : vector<64x128xf32> to vector<8x8x128xf32>
    %swap3A_749 = arith.constant 0 : index
    %swap3A_750 = arith.constant 0 : index
    %swap3A_751 = arith.constant 1 : index
    %swap3A_752 = arith.constant 32 : index
    %swap3A_753 = arith.constant 0 : index
    %swap3A_754 = arith.constant 0 : index
    %swap3A_755 = vector.load %arg3[%swap3A_749, %swap3A_750, %swap3A_751, %swap3A_752, %swap3A_753, %swap3A_754] : memref<1x8x2x64x8x128xf32, #tpu.memory_space<vmem>>, vector<1x8x1x1x8x128xf32>
    %swap3A_756 = vector.shape_cast %swap3A_755 : vector<1x8x1x1x8x128xf32> to vector<8x8x128xf32>
    %swap3A_757 = vector.shape_cast %reshape3A_748 : vector<8x8x128xf32> to vector<1x8x1x1x8x128xf32>
    tpu.vector_store %arg3[%swap3A_749, %swap3A_750, %swap3A_751, %swap3A_752, %swap3A_753, %swap3A_754], %swap3A_757 {strides = array<i32>} : memref<1x8x2x64x8x128xf32, #tpu.memory_space<vmem>>, vector<1x8x1x1x8x128xf32>,
    %slice3A_758 = vector.extract_strided_slice %transpose3A {offsets = [0, 4224], sizes = [128, 128], strides = [1, 1]} : vector<128x8192xf32> to vector<128x128xf32>
    %slice3A_759 = vector.extract_strided_slice %slice3A_758 {offsets = [0, 0], sizes = [64, 128], strides = [1, 1]} : vector<128x128xf32> to vector<64x128xf32>
    %reshape3A_760 = vector.shape_cast %slice3A_759 : vector<64x128xf32> to vector<8x8x128xf32>
    %swap3A_761 = arith.constant 0 : index
    %swap3A_762 = arith.constant 0 : index
    %swap3A_763 = arith.constant 0 : index
    %swap3A_764 = arith.constant 33 : index
    %swap3A_765 = arith.constant 0 : index
    %swap3A_766 = arith.constant 0 : index
    %swap3A_767 = vector.load %arg3[%swap3A_761, %swap3A_762, %swap3A_763, %swap3A_764, %swap3A_765, %swap3A_766] : memref<1x8x2x64x8x128xf32, #tpu.memory_space<vmem>>, vector<1x8x1x1x8x128xf32>
    %swap3A_768 = vector.shape_cast %swap3A_767 : vector<1x8x1x1x8x128xf32> to vector<8x8x128xf32>
    %swap3A_769 = vector.shape_cast %reshape3A_760 : vector<8x8x128xf32> to vector<1x8x1x1x8x128xf32>
    tpu.vector_store %arg3[%swap3A_761, %swap3A_762, %swap3A_763, %swap3A_764, %swap3A_765, %swap3A_766], %swap3A_769 {strides = array<i32>} : memref<1x8x2x64x8x128xf32, #tpu.memory_space<vmem>>, vector<1x8x1x1x8x128xf32>,
    %slice3A_770 = vector.extract_strided_slice %slice3A_758 {offsets = [64, 0], sizes = [64, 128], strides = [1, 1]} : vector<128x128xf32> to vector<64x128xf32>
    %reshape3A_771 = vector.shape_cast %slice3A_770 : vector<64x128xf32> to vector<8x8x128xf32>
    %swap3A_772 = arith.constant 0 : index
    %swap3A_773 = arith.constant 0 : index
    %swap3A_774 = arith.constant 1 : index
    %swap3A_775 = arith.constant 33 : index
    %swap3A_776 = arith.constant 0 : index
    %swap3A_777 = arith.constant 0 : index
    %swap3A_778 = vector.load %arg3[%swap3A_772, %swap3A_773, %swap3A_774, %swap3A_775, %swap3A_776, %swap3A_777] : memref<1x8x2x64x8x128xf32, #tpu.memory_space<vmem>>, vector<1x8x1x1x8x128xf32>
    %swap3A_779 = vector.shape_cast %swap3A_778 : vector<1x8x1x1x8x128xf32> to vector<8x8x128xf32>
    %swap3A_780 = vector.shape_cast %reshape3A_771 : vector<8x8x128xf32> to vector<1x8x1x1x8x128xf32>
    tpu.vector_store %arg3[%swap3A_772, %swap3A_773, %swap3A_774, %swap3A_775, %swap3A_776, %swap3A_777], %swap3A_780 {strides = array<i32>} : memref<1x8x2x64x8x128xf32, #tpu.memory_space<vmem>>, vector<1x8x1x1x8x128xf32>,
    %slice3A_781 = vector.extract_strided_slice %transpose3A {offsets = [0, 4352], sizes = [128, 128], strides = [1, 1]} : vector<128x8192xf32> to vector<128x128xf32>
    %slice3A_782 = vector.extract_strided_slice %slice3A_781 {offsets = [0, 0], sizes = [64, 128], strides = [1, 1]} : vector<128x128xf32> to vector<64x128xf32>
    %reshape3A_783 = vector.shape_cast %slice3A_782 : vector<64x128xf32> to vector<8x8x128xf32>
    %swap3A_784 = arith.constant 0 : index
    %swap3A_785 = arith.constant 0 : index
    %swap3A_786 = arith.constant 0 : index
    %swap3A_787 = arith.constant 34 : index
    %swap3A_788 = arith.constant 0 : index
    %swap3A_789 = arith.constant 0 : index
    %swap3A_790 = vector.load %arg3[%swap3A_784, %swap3A_785, %swap3A_786, %swap3A_787, %swap3A_788, %swap3A_789] : memref<1x8x2x64x8x128xf32, #tpu.memory_space<vmem>>, vector<1x8x1x1x8x128xf32>
    %swap3A_791 = vector.shape_cast %swap3A_790 : vector<1x8x1x1x8x128xf32> to vector<8x8x128xf32>
    %swap3A_792 = vector.shape_cast %reshape3A_783 : vector<8x8x128xf32> to vector<1x8x1x1x8x128xf32>
    tpu.vector_store %arg3[%swap3A_784, %swap3A_785, %swap3A_786, %swap3A_787, %swap3A_788, %swap3A_789], %swap3A_792 {strides = array<i32>} : memref<1x8x2x64x8x128xf32, #tpu.memory_space<vmem>>, vector<1x8x1x1x8x128xf32>,
    %slice3A_793 = vector.extract_strided_slice %slice3A_781 {offsets = [64, 0], sizes = [64, 128], strides = [1, 1]} : vector<128x128xf32> to vector<64x128xf32>
    %reshape3A_794 = vector.shape_cast %slice3A_793 : vector<64x128xf32> to vector<8x8x128xf32>
    %swap3A_795 = arith.constant 0 : index
    %swap3A_796 = arith.constant 0 : index
    %swap3A_797 = arith.constant 1 : index
    %swap3A_798 = arith.constant 34 : index
    %swap3A_799 = arith.constant 0 : index
    %swap3A_800 = arith.constant 0 : index
    %swap3A_801 = vector.load %arg3[%swap3A_795, %swap3A_796, %swap3A_797, %swap3A_798, %swap3A_799, %swap3A_800] : memref<1x8x2x64x8x128xf32, #tpu.memory_space<vmem>>, vector<1x8x1x1x8x128xf32>
    %swap3A_802 = vector.shape_cast %swap3A_801 : vector<1x8x1x1x8x128xf32> to vector<8x8x128xf32>
    %swap3A_803 = vector.shape_cast %reshape3A_794 : vector<8x8x128xf32> to vector<1x8x1x1x8x128xf32>
    tpu.vector_store %arg3[%swap3A_795, %swap3A_796, %swap3A_797, %swap3A_798, %swap3A_799, %swap3A_800], %swap3A_803 {strides = array<i32>} : memref<1x8x2x64x8x128xf32, #tpu.memory_space<vmem>>, vector<1x8x1x1x8x128xf32>,
    %slice3A_804 = vector.extract_strided_slice %transpose3A {offsets = [0, 4480], sizes = [128, 128], strides = [1, 1]} : vector<128x8192xf32> to vector<128x128xf32>
    %slice3A_805 = vector.extract_strided_slice %slice3A_804 {offsets = [0, 0], sizes = [64, 128], strides = [1, 1]} : vector<128x128xf32> to vector<64x128xf32>
    %reshape3A_806 = vector.shape_cast %slice3A_805 : vector<64x128xf32> to vector<8x8x128xf32>
    %swap3A_807 = arith.constant 0 : index
    %swap3A_808 = arith.constant 0 : index
    %swap3A_809 = arith.constant 0 : index
    %swap3A_810 = arith.constant 35 : index
    %swap3A_811 = arith.constant 0 : index
    %swap3A_812 = arith.constant 0 : index
    %swap3A_813 = vector.load %arg3[%swap3A_807, %swap3A_808, %swap3A_809, %swap3A_810, %swap3A_811, %swap3A_812] : memref<1x8x2x64x8x128xf32, #tpu.memory_space<vmem>>, vector<1x8x1x1x8x128xf32>
    %swap3A_814 = vector.shape_cast %swap3A_813 : vector<1x8x1x1x8x128xf32> to vector<8x8x128xf32>
    %swap3A_815 = vector.shape_cast %reshape3A_806 : vector<8x8x128xf32> to vector<1x8x1x1x8x128xf32>
    tpu.vector_store %arg3[%swap3A_807, %swap3A_808, %swap3A_809, %swap3A_810, %swap3A_811, %swap3A_812], %swap3A_815 {strides = array<i32>} : memref<1x8x2x64x8x128xf32, #tpu.memory_space<vmem>>, vector<1x8x1x1x8x128xf32>,
    %slice3A_816 = vector.extract_strided_slice %slice3A_804 {offsets = [64, 0], sizes = [64, 128], strides = [1, 1]} : vector<128x128xf32> to vector<64x128xf32>
    %reshape3A_817 = vector.shape_cast %slice3A_816 : vector<64x128xf32> to vector<8x8x128xf32>
    %swap3A_818 = arith.constant 0 : index
    %swap3A_819 = arith.constant 0 : index
    %swap3A_820 = arith.constant 1 : index
    %swap3A_821 = arith.constant 35 : index
    %swap3A_822 = arith.constant 0 : index
    %swap3A_823 = arith.constant 0 : index
    %swap3A_824 = vector.load %arg3[%swap3A_818, %swap3A_819, %swap3A_820, %swap3A_821, %swap3A_822, %swap3A_823] : memref<1x8x2x64x8x128xf32, #tpu.memory_space<vmem>>, vector<1x8x1x1x8x128xf32>
    %swap3A_825 = vector.shape_cast %swap3A_824 : vector<1x8x1x1x8x128xf32> to vector<8x8x128xf32>
    %swap3A_826 = vector.shape_cast %reshape3A_817 : vector<8x8x128xf32> to vector<1x8x1x1x8x128xf32>
    tpu.vector_store %arg3[%swap3A_818, %swap3A_819, %swap3A_820, %swap3A_821, %swap3A_822, %swap3A_823], %swap3A_826 {strides = array<i32>} : memref<1x8x2x64x8x128xf32, #tpu.memory_space<vmem>>, vector<1x8x1x1x8x128xf32>,
    %slice3A_827 = vector.extract_strided_slice %transpose3A {offsets = [0, 4608], sizes = [128, 128], strides = [1, 1]} : vector<128x8192xf32> to vector<128x128xf32>
    %slice3A_828 = vector.extract_strided_slice %slice3A_827 {offsets = [0, 0], sizes = [64, 128], strides = [1, 1]} : vector<128x128xf32> to vector<64x128xf32>
    %reshape3A_829 = vector.shape_cast %slice3A_828 : vector<64x128xf32> to vector<8x8x128xf32>
    %swap3A_830 = arith.constant 0 : index
    %swap3A_831 = arith.constant 0 : index
    %swap3A_832 = arith.constant 0 : index
    %swap3A_833 = arith.constant 36 : index
    %swap3A_834 = arith.constant 0 : index
    %swap3A_835 = arith.constant 0 : index
    %swap3A_836 = vector.load %arg3[%swap3A_830, %swap3A_831, %swap3A_832, %swap3A_833, %swap3A_834, %swap3A_835] : memref<1x8x2x64x8x128xf32, #tpu.memory_space<vmem>>, vector<1x8x1x1x8x128xf32>
    %swap3A_837 = vector.shape_cast %swap3A_836 : vector<1x8x1x1x8x128xf32> to vector<8x8x128xf32>
    %swap3A_838 = vector.shape_cast %reshape3A_829 : vector<8x8x128xf32> to vector<1x8x1x1x8x128xf32>
    tpu.vector_store %arg3[%swap3A_830, %swap3A_831, %swap3A_832, %swap3A_833, %swap3A_834, %swap3A_835], %swap3A_838 {strides = array<i32>} : memref<1x8x2x64x8x128xf32, #tpu.memory_space<vmem>>, vector<1x8x1x1x8x128xf32>,
    %slice3A_839 = vector.extract_strided_slice %slice3A_827 {offsets = [64, 0], sizes = [64, 128], strides = [1, 1]} : vector<128x128xf32> to vector<64x128xf32>
    %reshape3A_840 = vector.shape_cast %slice3A_839 : vector<64x128xf32> to vector<8x8x128xf32>
    %swap3A_841 = arith.constant 0 : index
    %swap3A_842 = arith.constant 0 : index
    %swap3A_843 = arith.constant 1 : index
    %swap3A_844 = arith.constant 36 : index
    %swap3A_845 = arith.constant 0 : index
    %swap3A_846 = arith.constant 0 : index
    %swap3A_847 = vector.load %arg3[%swap3A_841, %swap3A_842, %swap3A_843, %swap3A_844, %swap3A_845, %swap3A_846] : memref<1x8x2x64x8x128xf32, #tpu.memory_space<vmem>>, vector<1x8x1x1x8x128xf32>
    %swap3A_848 = vector.shape_cast %swap3A_847 : vector<1x8x1x1x8x128xf32> to vector<8x8x128xf32>
    %swap3A_849 = vector.shape_cast %reshape3A_840 : vector<8x8x128xf32> to vector<1x8x1x1x8x128xf32>
    tpu.vector_store %arg3[%swap3A_841, %swap3A_842, %swap3A_843, %swap3A_844, %swap3A_845, %swap3A_846], %swap3A_849 {strides = array<i32>} : memref<1x8x2x64x8x128xf32, #tpu.memory_space<vmem>>, vector<1x8x1x1x8x128xf32>,
    %slice3A_850 = vector.extract_strided_slice %transpose3A {offsets = [0, 4736], sizes = [128, 128], strides = [1, 1]} : vector<128x8192xf32> to vector<128x128xf32>
    %slice3A_851 = vector.extract_strided_slice %slice3A_850 {offsets = [0, 0], sizes = [64, 128], strides = [1, 1]} : vector<128x128xf32> to vector<64x128xf32>
    %reshape3A_852 = vector.shape_cast %slice3A_851 : vector<64x128xf32> to vector<8x8x128xf32>
    %swap3A_853 = arith.constant 0 : index
    %swap3A_854 = arith.constant 0 : index
    %swap3A_855 = arith.constant 0 : index
    %swap3A_856 = arith.constant 37 : index
    %swap3A_857 = arith.constant 0 : index
    %swap3A_858 = arith.constant 0 : index
    %swap3A_859 = vector.load %arg3[%swap3A_853, %swap3A_854, %swap3A_855, %swap3A_856, %swap3A_857, %swap3A_858] : memref<1x8x2x64x8x128xf32, #tpu.memory_space<vmem>>, vector<1x8x1x1x8x128xf32>
    %swap3A_860 = vector.shape_cast %swap3A_859 : vector<1x8x1x1x8x128xf32> to vector<8x8x128xf32>
    %swap3A_861 = vector.shape_cast %reshape3A_852 : vector<8x8x128xf32> to vector<1x8x1x1x8x128xf32>
    tpu.vector_store %arg3[%swap3A_853, %swap3A_854, %swap3A_855, %swap3A_856, %swap3A_857, %swap3A_858], %swap3A_861 {strides = array<i32>} : memref<1x8x2x64x8x128xf32, #tpu.memory_space<vmem>>, vector<1x8x1x1x8x128xf32>,
    %slice3A_862 = vector.extract_strided_slice %slice3A_850 {offsets = [64, 0], sizes = [64, 128], strides = [1, 1]} : vector<128x128xf32> to vector<64x128xf32>
    %reshape3A_863 = vector.shape_cast %slice3A_862 : vector<64x128xf32> to vector<8x8x128xf32>
    %swap3A_864 = arith.constant 0 : index
    %swap3A_865 = arith.constant 0 : index
    %swap3A_866 = arith.constant 1 : index
    %swap3A_867 = arith.constant 37 : index
    %swap3A_868 = arith.constant 0 : index
    %swap3A_869 = arith.constant 0 : index
    %swap3A_870 = vector.load %arg3[%swap3A_864, %swap3A_865, %swap3A_866, %swap3A_867, %swap3A_868, %swap3A_869] : memref<1x8x2x64x8x128xf32, #tpu.memory_space<vmem>>, vector<1x8x1x1x8x128xf32>
    %swap3A_871 = vector.shape_cast %swap3A_870 : vector<1x8x1x1x8x128xf32> to vector<8x8x128xf32>
    %swap3A_872 = vector.shape_cast %reshape3A_863 : vector<8x8x128xf32> to vector<1x8x1x1x8x128xf32>
    tpu.vector_store %arg3[%swap3A_864, %swap3A_865, %swap3A_866, %swap3A_867, %swap3A_868, %swap3A_869], %swap3A_872 {strides = array<i32>} : memref<1x8x2x64x8x128xf32, #tpu.memory_space<vmem>>, vector<1x8x1x1x8x128xf32>,
    %slice3A_873 = vector.extract_strided_slice %transpose3A {offsets = [0, 4864], sizes = [128, 128], strides = [1, 1]} : vector<128x8192xf32> to vector<128x128xf32>
    %slice3A_874 = vector.extract_strided_slice %slice3A_873 {offsets = [0, 0], sizes = [64, 128], strides = [1, 1]} : vector<128x128xf32> to vector<64x128xf32>
    %reshape3A_875 = vector.shape_cast %slice3A_874 : vector<64x128xf32> to vector<8x8x128xf32>
    %swap3A_876 = arith.constant 0 : index
    %swap3A_877 = arith.constant 0 : index
    %swap3A_878 = arith.constant 0 : index
    %swap3A_879 = arith.constant 38 : index
    %swap3A_880 = arith.constant 0 : index
    %swap3A_881 = arith.constant 0 : index
    %swap3A_882 = vector.load %arg3[%swap3A_876, %swap3A_877, %swap3A_878, %swap3A_879, %swap3A_880, %swap3A_881] : memref<1x8x2x64x8x128xf32, #tpu.memory_space<vmem>>, vector<1x8x1x1x8x128xf32>
    %swap3A_883 = vector.shape_cast %swap3A_882 : vector<1x8x1x1x8x128xf32> to vector<8x8x128xf32>
    %swap3A_884 = vector.shape_cast %reshape3A_875 : vector<8x8x128xf32> to vector<1x8x1x1x8x128xf32>
    tpu.vector_store %arg3[%swap3A_876, %swap3A_877, %swap3A_878, %swap3A_879, %swap3A_880, %swap3A_881], %swap3A_884 {strides = array<i32>} : memref<1x8x2x64x8x128xf32, #tpu.memory_space<vmem>>, vector<1x8x1x1x8x128xf32>,
    %slice3A_885 = vector.extract_strided_slice %slice3A_873 {offsets = [64, 0], sizes = [64, 128], strides = [1, 1]} : vector<128x128xf32> to vector<64x128xf32>
    %reshape3A_886 = vector.shape_cast %slice3A_885 : vector<64x128xf32> to vector<8x8x128xf32>
    %swap3A_887 = arith.constant 0 : index
    %swap3A_888 = arith.constant 0 : index
    %swap3A_889 = arith.constant 1 : index
    %swap3A_890 = arith.constant 38 : index
    %swap3A_891 = arith.constant 0 : index
    %swap3A_892 = arith.constant 0 : index
    %swap3A_893 = vector.load %arg3[%swap3A_887, %swap3A_888, %swap3A_889, %swap3A_890, %swap3A_891, %swap3A_892] : memref<1x8x2x64x8x128xf32, #tpu.memory_space<vmem>>, vector<1x8x1x1x8x128xf32>
    %swap3A_894 = vector.shape_cast %swap3A_893 : vector<1x8x1x1x8x128xf32> to vector<8x8x128xf32>
    %swap3A_895 = vector.shape_cast %reshape3A_886 : vector<8x8x128xf32> to vector<1x8x1x1x8x128xf32>
    tpu.vector_store %arg3[%swap3A_887, %swap3A_888, %swap3A_889, %swap3A_890, %swap3A_891, %swap3A_892], %swap3A_895 {strides = array<i32>} : memref<1x8x2x64x8x128xf32, #tpu.memory_space<vmem>>, vector<1x8x1x1x8x128xf32>,
    %slice3A_896 = vector.extract_strided_slice %transpose3A {offsets = [0, 4992], sizes = [128, 128], strides = [1, 1]} : vector<128x8192xf32> to vector<128x128xf32>
    %slice3A_897 = vector.extract_strided_slice %slice3A_896 {offsets = [0, 0], sizes = [64, 128], strides = [1, 1]} : vector<128x128xf32> to vector<64x128xf32>
    %reshape3A_898 = vector.shape_cast %slice3A_897 : vector<64x128xf32> to vector<8x8x128xf32>
    %swap3A_899 = arith.constant 0 : index
    %swap3A_900 = arith.constant 0 : index
    %swap3A_901 = arith.constant 0 : index
    %swap3A_902 = arith.constant 39 : index
    %swap3A_903 = arith.constant 0 : index
    %swap3A_904 = arith.constant 0 : index
    %swap3A_905 = vector.load %arg3[%swap3A_899, %swap3A_900, %swap3A_901, %swap3A_902, %swap3A_903, %swap3A_904] : memref<1x8x2x64x8x128xf32, #tpu.memory_space<vmem>>, vector<1x8x1x1x8x128xf32>
    %swap3A_906 = vector.shape_cast %swap3A_905 : vector<1x8x1x1x8x128xf32> to vector<8x8x128xf32>
    %swap3A_907 = vector.shape_cast %reshape3A_898 : vector<8x8x128xf32> to vector<1x8x1x1x8x128xf32>
    tpu.vector_store %arg3[%swap3A_899, %swap3A_900, %swap3A_901, %swap3A_902, %swap3A_903, %swap3A_904], %swap3A_907 {strides = array<i32>} : memref<1x8x2x64x8x128xf32, #tpu.memory_space<vmem>>, vector<1x8x1x1x8x128xf32>,
    %slice3A_908 = vector.extract_strided_slice %slice3A_896 {offsets = [64, 0], sizes = [64, 128], strides = [1, 1]} : vector<128x128xf32> to vector<64x128xf32>
    %reshape3A_909 = vector.shape_cast %slice3A_908 : vector<64x128xf32> to vector<8x8x128xf32>
    %swap3A_910 = arith.constant 0 : index
    %swap3A_911 = arith.constant 0 : index
    %swap3A_912 = arith.constant 1 : index
    %swap3A_913 = arith.constant 39 : index
    %swap3A_914 = arith.constant 0 : index
    %swap3A_915 = arith.constant 0 : index
    %swap3A_916 = vector.load %arg3[%swap3A_910, %swap3A_911, %swap3A_912, %swap3A_913, %swap3A_914, %swap3A_915] : memref<1x8x2x64x8x128xf32, #tpu.memory_space<vmem>>, vector<1x8x1x1x8x128xf32>
    %swap3A_917 = vector.shape_cast %swap3A_916 : vector<1x8x1x1x8x128xf32> to vector<8x8x128xf32>
    %swap3A_918 = vector.shape_cast %reshape3A_909 : vector<8x8x128xf32> to vector<1x8x1x1x8x128xf32>
    tpu.vector_store %arg3[%swap3A_910, %swap3A_911, %swap3A_912, %swap3A_913, %swap3A_914, %swap3A_915], %swap3A_918 {strides = array<i32>} : memref<1x8x2x64x8x128xf32, #tpu.memory_space<vmem>>, vector<1x8x1x1x8x128xf32>,
    %slice3A_919 = vector.extract_strided_slice %transpose3A {offsets = [0, 5120], sizes = [128, 128], strides = [1, 1]} : vector<128x8192xf32> to vector<128x128xf32>
    %slice3A_920 = vector.extract_strided_slice %slice3A_919 {offsets = [0, 0], sizes = [64, 128], strides = [1, 1]} : vector<128x128xf32> to vector<64x128xf32>
    %reshape3A_921 = vector.shape_cast %slice3A_920 : vector<64x128xf32> to vector<8x8x128xf32>
    %swap3A_922 = arith.constant 0 : index
    %swap3A_923 = arith.constant 0 : index
    %swap3A_924 = arith.constant 0 : index
    %swap3A_925 = arith.constant 40 : index
    %swap3A_926 = arith.constant 0 : index
    %swap3A_927 = arith.constant 0 : index
    %swap3A_928 = vector.load %arg3[%swap3A_922, %swap3A_923, %swap3A_924, %swap3A_925, %swap3A_926, %swap3A_927] : memref<1x8x2x64x8x128xf32, #tpu.memory_space<vmem>>, vector<1x8x1x1x8x128xf32>
    %swap3A_929 = vector.shape_cast %swap3A_928 : vector<1x8x1x1x8x128xf32> to vector<8x8x128xf32>
    %swap3A_930 = vector.shape_cast %reshape3A_921 : vector<8x8x128xf32> to vector<1x8x1x1x8x128xf32>
    tpu.vector_store %arg3[%swap3A_922, %swap3A_923, %swap3A_924, %swap3A_925, %swap3A_926, %swap3A_927], %swap3A_930 {strides = array<i32>} : memref<1x8x2x64x8x128xf32, #tpu.memory_space<vmem>>, vector<1x8x1x1x8x128xf32>,
    %slice3A_931 = vector.extract_strided_slice %slice3A_919 {offsets = [64, 0], sizes = [64, 128], strides = [1, 1]} : vector<128x128xf32> to vector<64x128xf32>
    %reshape3A_932 = vector.shape_cast %slice3A_931 : vector<64x128xf32> to vector<8x8x128xf32>
    %swap3A_933 = arith.constant 0 : index
    %swap3A_934 = arith.constant 0 : index
    %swap3A_935 = arith.constant 1 : index
    %swap3A_936 = arith.constant 40 : index
    %swap3A_937 = arith.constant 0 : index
    %swap3A_938 = arith.constant 0 : index
    %swap3A_939 = vector.load %arg3[%swap3A_933, %swap3A_934, %swap3A_935, %swap3A_936, %swap3A_937, %swap3A_938] : memref<1x8x2x64x8x128xf32, #tpu.memory_space<vmem>>, vector<1x8x1x1x8x128xf32>
    %swap3A_940 = vector.shape_cast %swap3A_939 : vector<1x8x1x1x8x128xf32> to vector<8x8x128xf32>
    %swap3A_941 = vector.shape_cast %reshape3A_932 : vector<8x8x128xf32> to vector<1x8x1x1x8x128xf32>
    tpu.vector_store %arg3[%swap3A_933, %swap3A_934, %swap3A_935, %swap3A_936, %swap3A_937, %swap3A_938], %swap3A_941 {strides = array<i32>} : memref<1x8x2x64x8x128xf32, #tpu.memory_space<vmem>>, vector<1x8x1x1x8x128xf32>,
    %slice3A_942 = vector.extract_strided_slice %transpose3A {offsets = [0, 5248], sizes = [128, 128], strides = [1, 1]} : vector<128x8192xf32> to vector<128x128xf32>
    %slice3A_943 = vector.extract_strided_slice %slice3A_942 {offsets = [0, 0], sizes = [64, 128], strides = [1, 1]} : vector<128x128xf32> to vector<64x128xf32>
    %reshape3A_944 = vector.shape_cast %slice3A_943 : vector<64x128xf32> to vector<8x8x128xf32>
    %swap3A_945 = arith.constant 0 : index
    %swap3A_946 = arith.constant 0 : index
    %swap3A_947 = arith.constant 0 : index
    %swap3A_948 = arith.constant 41 : index
    %swap3A_949 = arith.constant 0 : index
    %swap3A_950 = arith.constant 0 : index
    %swap3A_951 = vector.load %arg3[%swap3A_945, %swap3A_946, %swap3A_947, %swap3A_948, %swap3A_949, %swap3A_950] : memref<1x8x2x64x8x128xf32, #tpu.memory_space<vmem>>, vector<1x8x1x1x8x128xf32>
    %swap3A_952 = vector.shape_cast %swap3A_951 : vector<1x8x1x1x8x128xf32> to vector<8x8x128xf32>
    %swap3A_953 = vector.shape_cast %reshape3A_944 : vector<8x8x128xf32> to vector<1x8x1x1x8x128xf32>
    tpu.vector_store %arg3[%swap3A_945, %swap3A_946, %swap3A_947, %swap3A_948, %swap3A_949, %swap3A_950], %swap3A_953 {strides = array<i32>} : memref<1x8x2x64x8x128xf32, #tpu.memory_space<vmem>>, vector<1x8x1x1x8x128xf32>,
    %slice3A_954 = vector.extract_strided_slice %slice3A_942 {offsets = [64, 0], sizes = [64, 128], strides = [1, 1]} : vector<128x128xf32> to vector<64x128xf32>
    %reshape3A_955 = vector.shape_cast %slice3A_954 : vector<64x128xf32> to vector<8x8x128xf32>
    %swap3A_956 = arith.constant 0 : index
    %swap3A_957 = arith.constant 0 : index
    %swap3A_958 = arith.constant 1 : index
    %swap3A_959 = arith.constant 41 : index
    %swap3A_960 = arith.constant 0 : index
    %swap3A_961 = arith.constant 0 : index
    %swap3A_962 = vector.load %arg3[%swap3A_956, %swap3A_957, %swap3A_958, %swap3A_959, %swap3A_960, %swap3A_961] : memref<1x8x2x64x8x128xf32, #tpu.memory_space<vmem>>, vector<1x8x1x1x8x128xf32>
    %swap3A_963 = vector.shape_cast %swap3A_962 : vector<1x8x1x1x8x128xf32> to vector<8x8x128xf32>
    %swap3A_964 = vector.shape_cast %reshape3A_955 : vector<8x8x128xf32> to vector<1x8x1x1x8x128xf32>
    tpu.vector_store %arg3[%swap3A_956, %swap3A_957, %swap3A_958, %swap3A_959, %swap3A_960, %swap3A_961], %swap3A_964 {strides = array<i32>} : memref<1x8x2x64x8x128xf32, #tpu.memory_space<vmem>>, vector<1x8x1x1x8x128xf32>,
    %slice3A_965 = vector.extract_strided_slice %transpose3A {offsets = [0, 5376], sizes = [128, 128], strides = [1, 1]} : vector<128x8192xf32> to vector<128x128xf32>
    %slice3A_966 = vector.extract_strided_slice %slice3A_965 {offsets = [0, 0], sizes = [64, 128], strides = [1, 1]} : vector<128x128xf32> to vector<64x128xf32>
    %reshape3A_967 = vector.shape_cast %slice3A_966 : vector<64x128xf32> to vector<8x8x128xf32>
    %swap3A_968 = arith.constant 0 : index
    %swap3A_969 = arith.constant 0 : index
    %swap3A_970 = arith.constant 0 : index
    %swap3A_971 = arith.constant 42 : index
    %swap3A_972 = arith.constant 0 : index
    %swap3A_973 = arith.constant 0 : index
    %swap3A_974 = vector.load %arg3[%swap3A_968, %swap3A_969, %swap3A_970, %swap3A_971, %swap3A_972, %swap3A_973] : memref<1x8x2x64x8x128xf32, #tpu.memory_space<vmem>>, vector<1x8x1x1x8x128xf32>
    %swap3A_975 = vector.shape_cast %swap3A_974 : vector<1x8x1x1x8x128xf32> to vector<8x8x128xf32>
    %swap3A_976 = vector.shape_cast %reshape3A_967 : vector<8x8x128xf32> to vector<1x8x1x1x8x128xf32>
    tpu.vector_store %arg3[%swap3A_968, %swap3A_969, %swap3A_970, %swap3A_971, %swap3A_972, %swap3A_973], %swap3A_976 {strides = array<i32>} : memref<1x8x2x64x8x128xf32, #tpu.memory_space<vmem>>, vector<1x8x1x1x8x128xf32>,
    %slice3A_977 = vector.extract_strided_slice %slice3A_965 {offsets = [64, 0], sizes = [64, 128], strides = [1, 1]} : vector<128x128xf32> to vector<64x128xf32>
    %reshape3A_978 = vector.shape_cast %slice3A_977 : vector<64x128xf32> to vector<8x8x128xf32>
    %swap3A_979 = arith.constant 0 : index
    %swap3A_980 = arith.constant 0 : index
    %swap3A_981 = arith.constant 1 : index
    %swap3A_982 = arith.constant 42 : index
    %swap3A_983 = arith.constant 0 : index
    %swap3A_984 = arith.constant 0 : index
    %swap3A_985 = vector.load %arg3[%swap3A_979, %swap3A_980, %swap3A_981, %swap3A_982, %swap3A_983, %swap3A_984] : memref<1x8x2x64x8x128xf32, #tpu.memory_space<vmem>>, vector<1x8x1x1x8x128xf32>
    %swap3A_986 = vector.shape_cast %swap3A_985 : vector<1x8x1x1x8x128xf32> to vector<8x8x128xf32>
    %swap3A_987 = vector.shape_cast %reshape3A_978 : vector<8x8x128xf32> to vector<1x8x1x1x8x128xf32>
    tpu.vector_store %arg3[%swap3A_979, %swap3A_980, %swap3A_981, %swap3A_982, %swap3A_983, %swap3A_984], %swap3A_987 {strides = array<i32>} : memref<1x8x2x64x8x128xf32, #tpu.memory_space<vmem>>, vector<1x8x1x1x8x128xf32>,
    %slice3A_988 = vector.extract_strided_slice %transpose3A {offsets = [0, 5504], sizes = [128, 128], strides = [1, 1]} : vector<128x8192xf32> to vector<128x128xf32>
    %slice3A_989 = vector.extract_strided_slice %slice3A_988 {offsets = [0, 0], sizes = [64, 128], strides = [1, 1]} : vector<128x128xf32> to vector<64x128xf32>
    %reshape3A_990 = vector.shape_cast %slice3A_989 : vector<64x128xf32> to vector<8x8x128xf32>
    %swap3A_991 = arith.constant 0 : index
    %swap3A_992 = arith.constant 0 : index
    %swap3A_993 = arith.constant 0 : index
    %swap3A_994 = arith.constant 43 : index
    %swap3A_995 = arith.constant 0 : index
    %swap3A_996 = arith.constant 0 : index
    %swap3A_997 = vector.load %arg3[%swap3A_991, %swap3A_992, %swap3A_993, %swap3A_994, %swap3A_995, %swap3A_996] : memref<1x8x2x64x8x128xf32, #tpu.memory_space<vmem>>, vector<1x8x1x1x8x128xf32>
    %swap3A_998 = vector.shape_cast %swap3A_997 : vector<1x8x1x1x8x128xf32> to vector<8x8x128xf32>
    %swap3A_999 = vector.shape_cast %reshape3A_990 : vector<8x8x128xf32> to vector<1x8x1x1x8x128xf32>
    tpu.vector_store %arg3[%swap3A_991, %swap3A_992, %swap3A_993, %swap3A_994, %swap3A_995, %swap3A_996], %swap3A_999 {strides = array<i32>} : memref<1x8x2x64x8x128xf32, #tpu.memory_space<vmem>>, vector<1x8x1x1x8x128xf32>,
    %slice3A_1000 = vector.extract_strided_slice %slice3A_988 {offsets = [64, 0], sizes = [64, 128], strides = [1, 1]} : vector<128x128xf32> to vector<64x128xf32>
    %reshape3A_1001 = vector.shape_cast %slice3A_1000 : vector<64x128xf32> to vector<8x8x128xf32>
    %swap3A_1002 = arith.constant 0 : index
    %swap3A_1003 = arith.constant 0 : index
    %swap3A_1004 = arith.constant 1 : index
    %swap3A_1005 = arith.constant 43 : index
    %swap3A_1006 = arith.constant 0 : index
    %swap3A_1007 = arith.constant 0 : index
    %swap3A_1008 = vector.load %arg3[%swap3A_1002, %swap3A_1003, %swap3A_1004, %swap3A_1005, %swap3A_1006, %swap3A_1007] : memref<1x8x2x64x8x128xf32, #tpu.memory_space<vmem>>, vector<1x8x1x1x8x128xf32>
    %swap3A_1009 = vector.shape_cast %swap3A_1008 : vector<1x8x1x1x8x128xf32> to vector<8x8x128xf32>
    %swap3A_1010 = vector.shape_cast %reshape3A_1001 : vector<8x8x128xf32> to vector<1x8x1x1x8x128xf32>
    tpu.vector_store %arg3[%swap3A_1002, %swap3A_1003, %swap3A_1004, %swap3A_1005, %swap3A_1006, %swap3A_1007], %swap3A_1010 {strides = array<i32>} : memref<1x8x2x64x8x128xf32, #tpu.memory_space<vmem>>, vector<1x8x1x1x8x128xf32>,
    %slice3A_1011 = vector.extract_strided_slice %transpose3A {offsets = [0, 5632], sizes = [128, 128], strides = [1, 1]} : vector<128x8192xf32> to vector<128x128xf32>
    %slice3A_1012 = vector.extract_strided_slice %slice3A_1011 {offsets = [0, 0], sizes = [64, 128], strides = [1, 1]} : vector<128x128xf32> to vector<64x128xf32>
    %reshape3A_1013 = vector.shape_cast %slice3A_1012 : vector<64x128xf32> to vector<8x8x128xf32>
    %swap3A_1014 = arith.constant 0 : index
    %swap3A_1015 = arith.constant 0 : index
    %swap3A_1016 = arith.constant 0 : index
    %swap3A_1017 = arith.constant 44 : index
    %swap3A_1018 = arith.constant 0 : index
    %swap3A_1019 = arith.constant 0 : index
    %swap3A_1020 = vector.load %arg3[%swap3A_1014, %swap3A_1015, %swap3A_1016, %swap3A_1017, %swap3A_1018, %swap3A_1019] : memref<1x8x2x64x8x128xf32, #tpu.memory_space<vmem>>, vector<1x8x1x1x8x128xf32>
    %swap3A_1021 = vector.shape_cast %swap3A_1020 : vector<1x8x1x1x8x128xf32> to vector<8x8x128xf32>
    %swap3A_1022 = vector.shape_cast %reshape3A_1013 : vector<8x8x128xf32> to vector<1x8x1x1x8x128xf32>
    tpu.vector_store %arg3[%swap3A_1014, %swap3A_1015, %swap3A_1016, %swap3A_1017, %swap3A_1018, %swap3A_1019], %swap3A_1022 {strides = array<i32>} : memref<1x8x2x64x8x128xf32, #tpu.memory_space<vmem>>, vector<1x8x1x1x8x128xf32>,
    %slice3A_1023 = vector.extract_strided_slice %slice3A_1011 {offsets = [64, 0], sizes = [64, 128], strides = [1, 1]} : vector<128x128xf32> to vector<64x128xf32>
    %reshape3A_1024 = vector.shape_cast %slice3A_1023 : vector<64x128xf32> to vector<8x8x128xf32>
    %swap3A_1025 = arith.constant 0 : index
    %swap3A_1026 = arith.constant 0 : index
    %swap3A_1027 = arith.constant 1 : index
    %swap3A_1028 = arith.constant 44 : index
    %swap3A_1029 = arith.constant 0 : index
    %swap3A_1030 = arith.constant 0 : index
    %swap3A_1031 = vector.load %arg3[%swap3A_1025, %swap3A_1026, %swap3A_1027, %swap3A_1028, %swap3A_1029, %swap3A_1030] : memref<1x8x2x64x8x128xf32, #tpu.memory_space<vmem>>, vector<1x8x1x1x8x128xf32>
    %swap3A_1032 = vector.shape_cast %swap3A_1031 : vector<1x8x1x1x8x128xf32> to vector<8x8x128xf32>
    %swap3A_1033 = vector.shape_cast %reshape3A_1024 : vector<8x8x128xf32> to vector<1x8x1x1x8x128xf32>
    tpu.vector_store %arg3[%swap3A_1025, %swap3A_1026, %swap3A_1027, %swap3A_1028, %swap3A_1029, %swap3A_1030], %swap3A_1033 {strides = array<i32>} : memref<1x8x2x64x8x128xf32, #tpu.memory_space<vmem>>, vector<1x8x1x1x8x128xf32>,
    %slice3A_1034 = vector.extract_strided_slice %transpose3A {offsets = [0, 5760], sizes = [128, 128], strides = [1, 1]} : vector<128x8192xf32> to vector<128x128xf32>
    %slice3A_1035 = vector.extract_strided_slice %slice3A_1034 {offsets = [0, 0], sizes = [64, 128], strides = [1, 1]} : vector<128x128xf32> to vector<64x128xf32>
    %reshape3A_1036 = vector.shape_cast %slice3A_1035 : vector<64x128xf32> to vector<8x8x128xf32>
    %swap3A_1037 = arith.constant 0 : index
    %swap3A_1038 = arith.constant 0 : index
    %swap3A_1039 = arith.constant 0 : index
    %swap3A_1040 = arith.constant 45 : index
    %swap3A_1041 = arith.constant 0 : index
    %swap3A_1042 = arith.constant 0 : index
    %swap3A_1043 = vector.load %arg3[%swap3A_1037, %swap3A_1038, %swap3A_1039, %swap3A_1040, %swap3A_1041, %swap3A_1042] : memref<1x8x2x64x8x128xf32, #tpu.memory_space<vmem>>, vector<1x8x1x1x8x128xf32>
    %swap3A_1044 = vector.shape_cast %swap3A_1043 : vector<1x8x1x1x8x128xf32> to vector<8x8x128xf32>
    %swap3A_1045 = vector.shape_cast %reshape3A_1036 : vector<8x8x128xf32> to vector<1x8x1x1x8x128xf32>
    tpu.vector_store %arg3[%swap3A_1037, %swap3A_1038, %swap3A_1039, %swap3A_1040, %swap3A_1041, %swap3A_1042], %swap3A_1045 {strides = array<i32>} : memref<1x8x2x64x8x128xf32, #tpu.memory_space<vmem>>, vector<1x8x1x1x8x128xf32>,
    %slice3A_1046 = vector.extract_strided_slice %slice3A_1034 {offsets = [64, 0], sizes = [64, 128], strides = [1, 1]} : vector<128x128xf32> to vector<64x128xf32>
    %reshape3A_1047 = vector.shape_cast %slice3A_1046 : vector<64x128xf32> to vector<8x8x128xf32>
    %swap3A_1048 = arith.constant 0 : index
    %swap3A_1049 = arith.constant 0 : index
    %swap3A_1050 = arith.constant 1 : index
    %swap3A_1051 = arith.constant 45 : index
    %swap3A_1052 = arith.constant 0 : index
    %swap3A_1053 = arith.constant 0 : index
    %swap3A_1054 = vector.load %arg3[%swap3A_1048, %swap3A_1049, %swap3A_1050, %swap3A_1051, %swap3A_1052, %swap3A_1053] : memref<1x8x2x64x8x128xf32, #tpu.memory_space<vmem>>, vector<1x8x1x1x8x128xf32>
    %swap3A_1055 = vector.shape_cast %swap3A_1054 : vector<1x8x1x1x8x128xf32> to vector<8x8x128xf32>
    %swap3A_1056 = vector.shape_cast %reshape3A_1047 : vector<8x8x128xf32> to vector<1x8x1x1x8x128xf32>
    tpu.vector_store %arg3[%swap3A_1048, %swap3A_1049, %swap3A_1050, %swap3A_1051, %swap3A_1052, %swap3A_1053], %swap3A_1056 {strides = array<i32>} : memref<1x8x2x64x8x128xf32, #tpu.memory_space<vmem>>, vector<1x8x1x1x8x128xf32>,
    %slice3A_1057 = vector.extract_strided_slice %transpose3A {offsets = [0, 5888], sizes = [128, 128], strides = [1, 1]} : vector<128x8192xf32> to vector<128x128xf32>
    %slice3A_1058 = vector.extract_strided_slice %slice3A_1057 {offsets = [0, 0], sizes = [64, 128], strides = [1, 1]} : vector<128x128xf32> to vector<64x128xf32>
    %reshape3A_1059 = vector.shape_cast %slice3A_1058 : vector<64x128xf32> to vector<8x8x128xf32>
    %swap3A_1060 = arith.constant 0 : index
    %swap3A_1061 = arith.constant 0 : index
    %swap3A_1062 = arith.constant 0 : index
    %swap3A_1063 = arith.constant 46 : index
    %swap3A_1064 = arith.constant 0 : index
    %swap3A_1065 = arith.constant 0 : index
    %swap3A_1066 = vector.load %arg3[%swap3A_1060, %swap3A_1061, %swap3A_1062, %swap3A_1063, %swap3A_1064, %swap3A_1065] : memref<1x8x2x64x8x128xf32, #tpu.memory_space<vmem>>, vector<1x8x1x1x8x128xf32>
    %swap3A_1067 = vector.shape_cast %swap3A_1066 : vector<1x8x1x1x8x128xf32> to vector<8x8x128xf32>
    %swap3A_1068 = vector.shape_cast %reshape3A_1059 : vector<8x8x128xf32> to vector<1x8x1x1x8x128xf32>
    tpu.vector_store %arg3[%swap3A_1060, %swap3A_1061, %swap3A_1062, %swap3A_1063, %swap3A_1064, %swap3A_1065], %swap3A_1068 {strides = array<i32>} : memref<1x8x2x64x8x128xf32, #tpu.memory_space<vmem>>, vector<1x8x1x1x8x128xf32>,
    %slice3A_1069 = vector.extract_strided_slice %slice3A_1057 {offsets = [64, 0], sizes = [64, 128], strides = [1, 1]} : vector<128x128xf32> to vector<64x128xf32>
    %reshape3A_1070 = vector.shape_cast %slice3A_1069 : vector<64x128xf32> to vector<8x8x128xf32>
    %swap3A_1071 = arith.constant 0 : index
    %swap3A_1072 = arith.constant 0 : index
    %swap3A_1073 = arith.constant 1 : index
    %swap3A_1074 = arith.constant 46 : index
    %swap3A_1075 = arith.constant 0 : index
    %swap3A_1076 = arith.constant 0 : index
    %swap3A_1077 = vector.load %arg3[%swap3A_1071, %swap3A_1072, %swap3A_1073, %swap3A_1074, %swap3A_1075, %swap3A_1076] : memref<1x8x2x64x8x128xf32, #tpu.memory_space<vmem>>, vector<1x8x1x1x8x128xf32>
    %swap3A_1078 = vector.shape_cast %swap3A_1077 : vector<1x8x1x1x8x128xf32> to vector<8x8x128xf32>
    %swap3A_1079 = vector.shape_cast %reshape3A_1070 : vector<8x8x128xf32> to vector<1x8x1x1x8x128xf32>
    tpu.vector_store %arg3[%swap3A_1071, %swap3A_1072, %swap3A_1073, %swap3A_1074, %swap3A_1075, %swap3A_1076], %swap3A_1079 {strides = array<i32>} : memref<1x8x2x64x8x128xf32, #tpu.memory_space<vmem>>, vector<1x8x1x1x8x128xf32>,
    %slice3A_1080 = vector.extract_strided_slice %transpose3A {offsets = [0, 6016], sizes = [128, 128], strides = [1, 1]} : vector<128x8192xf32> to vector<128x128xf32>
    %slice3A_1081 = vector.extract_strided_slice %slice3A_1080 {offsets = [0, 0], sizes = [64, 128], strides = [1, 1]} : vector<128x128xf32> to vector<64x128xf32>
    %reshape3A_1082 = vector.shape_cast %slice3A_1081 : vector<64x128xf32> to vector<8x8x128xf32>
    %swap3A_1083 = arith.constant 0 : index
    %swap3A_1084 = arith.constant 0 : index
    %swap3A_1085 = arith.constant 0 : index
    %swap3A_1086 = arith.constant 47 : index
    %swap3A_1087 = arith.constant 0 : index
    %swap3A_1088 = arith.constant 0 : index
    %swap3A_1089 = vector.load %arg3[%swap3A_1083, %swap3A_1084, %swap3A_1085, %swap3A_1086, %swap3A_1087, %swap3A_1088] : memref<1x8x2x64x8x128xf32, #tpu.memory_space<vmem>>, vector<1x8x1x1x8x128xf32>
    %swap3A_1090 = vector.shape_cast %swap3A_1089 : vector<1x8x1x1x8x128xf32> to vector<8x8x128xf32>
    %swap3A_1091 = vector.shape_cast %reshape3A_1082 : vector<8x8x128xf32> to vector<1x8x1x1x8x128xf32>
    tpu.vector_store %arg3[%swap3A_1083, %swap3A_1084, %swap3A_1085, %swap3A_1086, %swap3A_1087, %swap3A_1088], %swap3A_1091 {strides = array<i32>} : memref<1x8x2x64x8x128xf32, #tpu.memory_space<vmem>>, vector<1x8x1x1x8x128xf32>,
    %slice3A_1092 = vector.extract_strided_slice %slice3A_1080 {offsets = [64, 0], sizes = [64, 128], strides = [1, 1]} : vector<128x128xf32> to vector<64x128xf32>
    %reshape3A_1093 = vector.shape_cast %slice3A_1092 : vector<64x128xf32> to vector<8x8x128xf32>
    %swap3A_1094 = arith.constant 0 : index
    %swap3A_1095 = arith.constant 0 : index
    %swap3A_1096 = arith.constant 1 : index
    %swap3A_1097 = arith.constant 47 : index
    %swap3A_1098 = arith.constant 0 : index
    %swap3A_1099 = arith.constant 0 : index
    %swap3A_1100 = vector.load %arg3[%swap3A_1094, %swap3A_1095, %swap3A_1096, %swap3A_1097, %swap3A_1098, %swap3A_1099] : memref<1x8x2x64x8x128xf32, #tpu.memory_space<vmem>>, vector<1x8x1x1x8x128xf32>
    %swap3A_1101 = vector.shape_cast %swap3A_1100 : vector<1x8x1x1x8x128xf32> to vector<8x8x128xf32>
    %swap3A_1102 = vector.shape_cast %reshape3A_1093 : vector<8x8x128xf32> to vector<1x8x1x1x8x128xf32>
    tpu.vector_store %arg3[%swap3A_1094, %swap3A_1095, %swap3A_1096, %swap3A_1097, %swap3A_1098, %swap3A_1099], %swap3A_1102 {strides = array<i32>} : memref<1x8x2x64x8x128xf32, #tpu.memory_space<vmem>>, vector<1x8x1x1x8x128xf32>,
    %slice3A_1103 = vector.extract_strided_slice %transpose3A {offsets = [0, 6144], sizes = [128, 128], strides = [1, 1]} : vector<128x8192xf32> to vector<128x128xf32>
    %slice3A_1104 = vector.extract_strided_slice %slice3A_1103 {offsets = [0, 0], sizes = [64, 128], strides = [1, 1]} : vector<128x128xf32> to vector<64x128xf32>
    %reshape3A_1105 = vector.shape_cast %slice3A_1104 : vector<64x128xf32> to vector<8x8x128xf32>
    %swap3A_1106 = arith.constant 0 : index
    %swap3A_1107 = arith.constant 0 : index
    %swap3A_1108 = arith.constant 0 : index
    %swap3A_1109 = arith.constant 48 : index
    %swap3A_1110 = arith.constant 0 : index
    %swap3A_1111 = arith.constant 0 : index
    %swap3A_1112 = vector.load %arg3[%swap3A_1106, %swap3A_1107, %swap3A_1108, %swap3A_1109, %swap3A_1110, %swap3A_1111] : memref<1x8x2x64x8x128xf32, #tpu.memory_space<vmem>>, vector<1x8x1x1x8x128xf32>
    %swap3A_1113 = vector.shape_cast %swap3A_1112 : vector<1x8x1x1x8x128xf32> to vector<8x8x128xf32>
    %swap3A_1114 = vector.shape_cast %reshape3A_1105 : vector<8x8x128xf32> to vector<1x8x1x1x8x128xf32>
    tpu.vector_store %arg3[%swap3A_1106, %swap3A_1107, %swap3A_1108, %swap3A_1109, %swap3A_1110, %swap3A_1111], %swap3A_1114 {strides = array<i32>} : memref<1x8x2x64x8x128xf32, #tpu.memory_space<vmem>>, vector<1x8x1x1x8x128xf32>,
    %slice3A_1115 = vector.extract_strided_slice %slice3A_1103 {offsets = [64, 0], sizes = [64, 128], strides = [1, 1]} : vector<128x128xf32> to vector<64x128xf32>
    %reshape3A_1116 = vector.shape_cast %slice3A_1115 : vector<64x128xf32> to vector<8x8x128xf32>
    %swap3A_1117 = arith.constant 0 : index
    %swap3A_1118 = arith.constant 0 : index
    %swap3A_1119 = arith.constant 1 : index
    %swap3A_1120 = arith.constant 48 : index
    %swap3A_1121 = arith.constant 0 : index
    %swap3A_1122 = arith.constant 0 : index
    %swap3A_1123 = vector.load %arg3[%swap3A_1117, %swap3A_1118, %swap3A_1119, %swap3A_1120, %swap3A_1121, %swap3A_1122] : memref<1x8x2x64x8x128xf32, #tpu.memory_space<vmem>>, vector<1x8x1x1x8x128xf32>
    %swap3A_1124 = vector.shape_cast %swap3A_1123 : vector<1x8x1x1x8x128xf32> to vector<8x8x128xf32>
    %swap3A_1125 = vector.shape_cast %reshape3A_1116 : vector<8x8x128xf32> to vector<1x8x1x1x8x128xf32>
    tpu.vector_store %arg3[%swap3A_1117, %swap3A_1118, %swap3A_1119, %swap3A_1120, %swap3A_1121, %swap3A_1122], %swap3A_1125 {strides = array<i32>} : memref<1x8x2x64x8x128xf32, #tpu.memory_space<vmem>>, vector<1x8x1x1x8x128xf32>,
    %slice3A_1126 = vector.extract_strided_slice %transpose3A {offsets = [0, 6272], sizes = [128, 128], strides = [1, 1]} : vector<128x8192xf32> to vector<128x128xf32>
    %slice3A_1127 = vector.extract_strided_slice %slice3A_1126 {offsets = [0, 0], sizes = [64, 128], strides = [1, 1]} : vector<128x128xf32> to vector<64x128xf32>
    %reshape3A_1128 = vector.shape_cast %slice3A_1127 : vector<64x128xf32> to vector<8x8x128xf32>
    %swap3A_1129 = arith.constant 0 : index
    %swap3A_1130 = arith.constant 0 : index
    %swap3A_1131 = arith.constant 0 : index
    %swap3A_1132 = arith.constant 49 : index
    %swap3A_1133 = arith.constant 0 : index
    %swap3A_1134 = arith.constant 0 : index
    %swap3A_1135 = vector.load %arg3[%swap3A_1129, %swap3A_1130, %swap3A_1131, %swap3A_1132, %swap3A_1133, %swap3A_1134] : memref<1x8x2x64x8x128xf32, #tpu.memory_space<vmem>>, vector<1x8x1x1x8x128xf32>
    %swap3A_1136 = vector.shape_cast %swap3A_1135 : vector<1x8x1x1x8x128xf32> to vector<8x8x128xf32>
    %swap3A_1137 = vector.shape_cast %reshape3A_1128 : vector<8x8x128xf32> to vector<1x8x1x1x8x128xf32>
    tpu.vector_store %arg3[%swap3A_1129, %swap3A_1130, %swap3A_1131, %swap3A_1132, %swap3A_1133, %swap3A_1134], %swap3A_1137 {strides = array<i32>} : memref<1x8x2x64x8x128xf32, #tpu.memory_space<vmem>>, vector<1x8x1x1x8x128xf32>,
    %slice3A_1138 = vector.extract_strided_slice %slice3A_1126 {offsets = [64, 0], sizes = [64, 128], strides = [1, 1]} : vector<128x128xf32> to vector<64x128xf32>
    %reshape3A_1139 = vector.shape_cast %slice3A_1138 : vector<64x128xf32> to vector<8x8x128xf32>
    %swap3A_1140 = arith.constant 0 : index
    %swap3A_1141 = arith.constant 0 : index
    %swap3A_1142 = arith.constant 1 : index
    %swap3A_1143 = arith.constant 49 : index
    %swap3A_1144 = arith.constant 0 : index
    %swap3A_1145 = arith.constant 0 : index
    %swap3A_1146 = vector.load %arg3[%swap3A_1140, %swap3A_1141, %swap3A_1142, %swap3A_1143, %swap3A_1144, %swap3A_1145] : memref<1x8x2x64x8x128xf32, #tpu.memory_space<vmem>>, vector<1x8x1x1x8x128xf32>
    %swap3A_1147 = vector.shape_cast %swap3A_1146 : vector<1x8x1x1x8x128xf32> to vector<8x8x128xf32>
    %swap3A_1148 = vector.shape_cast %reshape3A_1139 : vector<8x8x128xf32> to vector<1x8x1x1x8x128xf32>
    tpu.vector_store %arg3[%swap3A_1140, %swap3A_1141, %swap3A_1142, %swap3A_1143, %swap3A_1144, %swap3A_1145], %swap3A_1148 {strides = array<i32>} : memref<1x8x2x64x8x128xf32, #tpu.memory_space<vmem>>, vector<1x8x1x1x8x128xf32>,
    %slice3A_1149 = vector.extract_strided_slice %transpose3A {offsets = [0, 6400], sizes = [128, 128], strides = [1, 1]} : vector<128x8192xf32> to vector<128x128xf32>
    %slice3A_1150 = vector.extract_strided_slice %slice3A_1149 {offsets = [0, 0], sizes = [64, 128], strides = [1, 1]} : vector<128x128xf32> to vector<64x128xf32>
    %reshape3A_1151 = vector.shape_cast %slice3A_1150 : vector<64x128xf32> to vector<8x8x128xf32>
    %swap3A_1152 = arith.constant 0 : index
    %swap3A_1153 = arith.constant 0 : index
    %swap3A_1154 = arith.constant 0 : index
    %swap3A_1155 = arith.constant 50 : index
    %swap3A_1156 = arith.constant 0 : index
    %swap3A_1157 = arith.constant 0 : index
    %swap3A_1158 = vector.load %arg3[%swap3A_1152, %swap3A_1153, %swap3A_1154, %swap3A_1155, %swap3A_1156, %swap3A_1157] : memref<1x8x2x64x8x128xf32, #tpu.memory_space<vmem>>, vector<1x8x1x1x8x128xf32>
    %swap3A_1159 = vector.shape_cast %swap3A_1158 : vector<1x8x1x1x8x128xf32> to vector<8x8x128xf32>
    %swap3A_1160 = vector.shape_cast %reshape3A_1151 : vector<8x8x128xf32> to vector<1x8x1x1x8x128xf32>
    tpu.vector_store %arg3[%swap3A_1152, %swap3A_1153, %swap3A_1154, %swap3A_1155, %swap3A_1156, %swap3A_1157], %swap3A_1160 {strides = array<i32>} : memref<1x8x2x64x8x128xf32, #tpu.memory_space<vmem>>, vector<1x8x1x1x8x128xf32>,
    %slice3A_1161 = vector.extract_strided_slice %slice3A_1149 {offsets = [64, 0], sizes = [64, 128], strides = [1, 1]} : vector<128x128xf32> to vector<64x128xf32>
    %reshape3A_1162 = vector.shape_cast %slice3A_1161 : vector<64x128xf32> to vector<8x8x128xf32>
    %swap3A_1163 = arith.constant 0 : index
    %swap3A_1164 = arith.constant 0 : index
    %swap3A_1165 = arith.constant 1 : index
    %swap3A_1166 = arith.constant 50 : index
    %swap3A_1167 = arith.constant 0 : index
    %swap3A_1168 = arith.constant 0 : index
    %swap3A_1169 = vector.load %arg3[%swap3A_1163, %swap3A_1164, %swap3A_1165, %swap3A_1166, %swap3A_1167, %swap3A_1168] : memref<1x8x2x64x8x128xf32, #tpu.memory_space<vmem>>, vector<1x8x1x1x8x128xf32>
    %swap3A_1170 = vector.shape_cast %swap3A_1169 : vector<1x8x1x1x8x128xf32> to vector<8x8x128xf32>
    %swap3A_1171 = vector.shape_cast %reshape3A_1162 : vector<8x8x128xf32> to vector<1x8x1x1x8x128xf32>
    tpu.vector_store %arg3[%swap3A_1163, %swap3A_1164, %swap3A_1165, %swap3A_1166, %swap3A_1167, %swap3A_1168], %swap3A_1171 {strides = array<i32>} : memref<1x8x2x64x8x128xf32, #tpu.memory_space<vmem>>, vector<1x8x1x1x8x128xf32>,
    %slice3A_1172 = vector.extract_strided_slice %transpose3A {offsets = [0, 6528], sizes = [128, 128], strides = [1, 1]} : vector<128x8192xf32> to vector<128x128xf32>
    %slice3A_1173 = vector.extract_strided_slice %slice3A_1172 {offsets = [0, 0], sizes = [64, 128], strides = [1, 1]} : vector<128x128xf32> to vector<64x128xf32>
    %reshape3A_1174 = vector.shape_cast %slice3A_1173 : vector<64x128xf32> to vector<8x8x128xf32>
    %swap3A_1175 = arith.constant 0 : index
    %swap3A_1176 = arith.constant 0 : index
    %swap3A_1177 = arith.constant 0 : index
    %swap3A_1178 = arith.constant 51 : index
    %swap3A_1179 = arith.constant 0 : index
    %swap3A_1180 = arith.constant 0 : index
    %swap3A_1181 = vector.load %arg3[%swap3A_1175, %swap3A_1176, %swap3A_1177, %swap3A_1178, %swap3A_1179, %swap3A_1180] : memref<1x8x2x64x8x128xf32, #tpu.memory_space<vmem>>, vector<1x8x1x1x8x128xf32>
    %swap3A_1182 = vector.shape_cast %swap3A_1181 : vector<1x8x1x1x8x128xf32> to vector<8x8x128xf32>
    %swap3A_1183 = vector.shape_cast %reshape3A_1174 : vector<8x8x128xf32> to vector<1x8x1x1x8x128xf32>
    tpu.vector_store %arg3[%swap3A_1175, %swap3A_1176, %swap3A_1177, %swap3A_1178, %swap3A_1179, %swap3A_1180], %swap3A_1183 {strides = array<i32>} : memref<1x8x2x64x8x128xf32, #tpu.memory_space<vmem>>, vector<1x8x1x1x8x128xf32>,
    %slice3A_1184 = vector.extract_strided_slice %slice3A_1172 {offsets = [64, 0], sizes = [64, 128], strides = [1, 1]} : vector<128x128xf32> to vector<64x128xf32>
    %reshape3A_1185 = vector.shape_cast %slice3A_1184 : vector<64x128xf32> to vector<8x8x128xf32>
    %swap3A_1186 = arith.constant 0 : index
    %swap3A_1187 = arith.constant 0 : index
    %swap3A_1188 = arith.constant 1 : index
    %swap3A_1189 = arith.constant 51 : index
    %swap3A_1190 = arith.constant 0 : index
    %swap3A_1191 = arith.constant 0 : index
    %swap3A_1192 = vector.load %arg3[%swap3A_1186, %swap3A_1187, %swap3A_1188, %swap3A_1189, %swap3A_1190, %swap3A_1191] : memref<1x8x2x64x8x128xf32, #tpu.memory_space<vmem>>, vector<1x8x1x1x8x128xf32>
    %swap3A_1193 = vector.shape_cast %swap3A_1192 : vector<1x8x1x1x8x128xf32> to vector<8x8x128xf32>
    %swap3A_1194 = vector.shape_cast %reshape3A_1185 : vector<8x8x128xf32> to vector<1x8x1x1x8x128xf32>
    tpu.vector_store %arg3[%swap3A_1186, %swap3A_1187, %swap3A_1188, %swap3A_1189, %swap3A_1190, %swap3A_1191], %swap3A_1194 {strides = array<i32>} : memref<1x8x2x64x8x128xf32, #tpu.memory_space<vmem>>, vector<1x8x1x1x8x128xf32>,
    %slice3A_1195 = vector.extract_strided_slice %transpose3A {offsets = [0, 6656], sizes = [128, 128], strides = [1, 1]} : vector<128x8192xf32> to vector<128x128xf32>
    %slice3A_1196 = vector.extract_strided_slice %slice3A_1195 {offsets = [0, 0], sizes = [64, 128], strides = [1, 1]} : vector<128x128xf32> to vector<64x128xf32>
    %reshape3A_1197 = vector.shape_cast %slice3A_1196 : vector<64x128xf32> to vector<8x8x128xf32>
    %swap3A_1198 = arith.constant 0 : index
    %swap3A_1199 = arith.constant 0 : index
    %swap3A_1200 = arith.constant 0 : index
    %swap3A_1201 = arith.constant 52 : index
    %swap3A_1202 = arith.constant 0 : index
    %swap3A_1203 = arith.constant 0 : index
    %swap3A_1204 = vector.load %arg3[%swap3A_1198, %swap3A_1199, %swap3A_1200, %swap3A_1201, %swap3A_1202, %swap3A_1203] : memref<1x8x2x64x8x128xf32, #tpu.memory_space<vmem>>, vector<1x8x1x1x8x128xf32>
    %swap3A_1205 = vector.shape_cast %swap3A_1204 : vector<1x8x1x1x8x128xf32> to vector<8x8x128xf32>
    %swap3A_1206 = vector.shape_cast %reshape3A_1197 : vector<8x8x128xf32> to vector<1x8x1x1x8x128xf32>
    tpu.vector_store %arg3[%swap3A_1198, %swap3A_1199, %swap3A_1200, %swap3A_1201, %swap3A_1202, %swap3A_1203], %swap3A_1206 {strides = array<i32>} : memref<1x8x2x64x8x128xf32, #tpu.memory_space<vmem>>, vector<1x8x1x1x8x128xf32>,
    %slice3A_1207 = vector.extract_strided_slice %slice3A_1195 {offsets = [64, 0], sizes = [64, 128], strides = [1, 1]} : vector<128x128xf32> to vector<64x128xf32>
    %reshape3A_1208 = vector.shape_cast %slice3A_1207 : vector<64x128xf32> to vector<8x8x128xf32>
    %swap3A_1209 = arith.constant 0 : index
    %swap3A_1210 = arith.constant 0 : index
    %swap3A_1211 = arith.constant 1 : index
    %swap3A_1212 = arith.constant 52 : index
    %swap3A_1213 = arith.constant 0 : index
    %swap3A_1214 = arith.constant 0 : index
    %swap3A_1215 = vector.load %arg3[%swap3A_1209, %swap3A_1210, %swap3A_1211, %swap3A_1212, %swap3A_1213, %swap3A_1214] : memref<1x8x2x64x8x128xf32, #tpu.memory_space<vmem>>, vector<1x8x1x1x8x128xf32>
    %swap3A_1216 = vector.shape_cast %swap3A_1215 : vector<1x8x1x1x8x128xf32> to vector<8x8x128xf32>
    %swap3A_1217 = vector.shape_cast %reshape3A_1208 : vector<8x8x128xf32> to vector<1x8x1x1x8x128xf32>
    tpu.vector_store %arg3[%swap3A_1209, %swap3A_1210, %swap3A_1211, %swap3A_1212, %swap3A_1213, %swap3A_1214], %swap3A_1217 {strides = array<i32>} : memref<1x8x2x64x8x128xf32, #tpu.memory_space<vmem>>, vector<1x8x1x1x8x128xf32>,
    %slice3A_1218 = vector.extract_strided_slice %transpose3A {offsets = [0, 6784], sizes = [128, 128], strides = [1, 1]} : vector<128x8192xf32> to vector<128x128xf32>
    %slice3A_1219 = vector.extract_strided_slice %slice3A_1218 {offsets = [0, 0], sizes = [64, 128], strides = [1, 1]} : vector<128x128xf32> to vector<64x128xf32>
    %reshape3A_1220 = vector.shape_cast %slice3A_1219 : vector<64x128xf32> to vector<8x8x128xf32>
    %swap3A_1221 = arith.constant 0 : index
    %swap3A_1222 = arith.constant 0 : index
    %swap3A_1223 = arith.constant 0 : index
    %swap3A_1224 = arith.constant 53 : index
    %swap3A_1225 = arith.constant 0 : index
    %swap3A_1226 = arith.constant 0 : index
    %swap3A_1227 = vector.load %arg3[%swap3A_1221, %swap3A_1222, %swap3A_1223, %swap3A_1224, %swap3A_1225, %swap3A_1226] : memref<1x8x2x64x8x128xf32, #tpu.memory_space<vmem>>, vector<1x8x1x1x8x128xf32>
    %swap3A_1228 = vector.shape_cast %swap3A_1227 : vector<1x8x1x1x8x128xf32> to vector<8x8x128xf32>
    %swap3A_1229 = vector.shape_cast %reshape3A_1220 : vector<8x8x128xf32> to vector<1x8x1x1x8x128xf32>
    tpu.vector_store %arg3[%swap3A_1221, %swap3A_1222, %swap3A_1223, %swap3A_1224, %swap3A_1225, %swap3A_1226], %swap3A_1229 {strides = array<i32>} : memref<1x8x2x64x8x128xf32, #tpu.memory_space<vmem>>, vector<1x8x1x1x8x128xf32>,
    %slice3A_1230 = vector.extract_strided_slice %slice3A_1218 {offsets = [64, 0], sizes = [64, 128], strides = [1, 1]} : vector<128x128xf32> to vector<64x128xf32>
    %reshape3A_1231 = vector.shape_cast %slice3A_1230 : vector<64x128xf32> to vector<8x8x128xf32>
    %swap3A_1232 = arith.constant 0 : index
    %swap3A_1233 = arith.constant 0 : index
    %swap3A_1234 = arith.constant 1 : index
    %swap3A_1235 = arith.constant 53 : index
    %swap3A_1236 = arith.constant 0 : index
    %swap3A_1237 = arith.constant 0 : index
    %swap3A_1238 = vector.load %arg3[%swap3A_1232, %swap3A_1233, %swap3A_1234, %swap3A_1235, %swap3A_1236, %swap3A_1237] : memref<1x8x2x64x8x128xf32, #tpu.memory_space<vmem>>, vector<1x8x1x1x8x128xf32>
    %swap3A_1239 = vector.shape_cast %swap3A_1238 : vector<1x8x1x1x8x128xf32> to vector<8x8x128xf32>
    %swap3A_1240 = vector.shape_cast %reshape3A_1231 : vector<8x8x128xf32> to vector<1x8x1x1x8x128xf32>
    tpu.vector_store %arg3[%swap3A_1232, %swap3A_1233, %swap3A_1234, %swap3A_1235, %swap3A_1236, %swap3A_1237], %swap3A_1240 {strides = array<i32>} : memref<1x8x2x64x8x128xf32, #tpu.memory_space<vmem>>, vector<1x8x1x1x8x128xf32>,
    %slice3A_1241 = vector.extract_strided_slice %transpose3A {offsets = [0, 6912], sizes = [128, 128], strides = [1, 1]} : vector<128x8192xf32> to vector<128x128xf32>
    %slice3A_1242 = vector.extract_strided_slice %slice3A_1241 {offsets = [0, 0], sizes = [64, 128], strides = [1, 1]} : vector<128x128xf32> to vector<64x128xf32>
    %reshape3A_1243 = vector.shape_cast %slice3A_1242 : vector<64x128xf32> to vector<8x8x128xf32>
    %swap3A_1244 = arith.constant 0 : index
    %swap3A_1245 = arith.constant 0 : index
    %swap3A_1246 = arith.constant 0 : index
    %swap3A_1247 = arith.constant 54 : index
    %swap3A_1248 = arith.constant 0 : index
    %swap3A_1249 = arith.constant 0 : index
    %swap3A_1250 = vector.load %arg3[%swap3A_1244, %swap3A_1245, %swap3A_1246, %swap3A_1247, %swap3A_1248, %swap3A_1249] : memref<1x8x2x64x8x128xf32, #tpu.memory_space<vmem>>, vector<1x8x1x1x8x128xf32>
    %swap3A_1251 = vector.shape_cast %swap3A_1250 : vector<1x8x1x1x8x128xf32> to vector<8x8x128xf32>
    %swap3A_1252 = vector.shape_cast %reshape3A_1243 : vector<8x8x128xf32> to vector<1x8x1x1x8x128xf32>
    tpu.vector_store %arg3[%swap3A_1244, %swap3A_1245, %swap3A_1246, %swap3A_1247, %swap3A_1248, %swap3A_1249], %swap3A_1252 {strides = array<i32>} : memref<1x8x2x64x8x128xf32, #tpu.memory_space<vmem>>, vector<1x8x1x1x8x128xf32>,
    %slice3A_1253 = vector.extract_strided_slice %slice3A_1241 {offsets = [64, 0], sizes = [64, 128], strides = [1, 1]} : vector<128x128xf32> to vector<64x128xf32>
    %reshape3A_1254 = vector.shape_cast %slice3A_1253 : vector<64x128xf32> to vector<8x8x128xf32>
    %swap3A_1255 = arith.constant 0 : index
    %swap3A_1256 = arith.constant 0 : index
    %swap3A_1257 = arith.constant 1 : index
    %swap3A_1258 = arith.constant 54 : index
    %swap3A_1259 = arith.constant 0 : index
    %swap3A_1260 = arith.constant 0 : index
    %swap3A_1261 = vector.load %arg3[%swap3A_1255, %swap3A_1256, %swap3A_1257, %swap3A_1258, %swap3A_1259, %swap3A_1260] : memref<1x8x2x64x8x128xf32, #tpu.memory_space<vmem>>, vector<1x8x1x1x8x128xf32>
    %swap3A_1262 = vector.shape_cast %swap3A_1261 : vector<1x8x1x1x8x128xf32> to vector<8x8x128xf32>
    %swap3A_1263 = vector.shape_cast %reshape3A_1254 : vector<8x8x128xf32> to vector<1x8x1x1x8x128xf32>
    tpu.vector_store %arg3[%swap3A_1255, %swap3A_1256, %swap3A_1257, %swap3A_1258, %swap3A_1259, %swap3A_1260], %swap3A_1263 {strides = array<i32>} : memref<1x8x2x64x8x128xf32, #tpu.memory_space<vmem>>, vector<1x8x1x1x8x128xf32>,
    %slice3A_1264 = vector.extract_strided_slice %transpose3A {offsets = [0, 7040], sizes = [128, 128], strides = [1, 1]} : vector<128x8192xf32> to vector<128x128xf32>
    %slice3A_1265 = vector.extract_strided_slice %slice3A_1264 {offsets = [0, 0], sizes = [64, 128], strides = [1, 1]} : vector<128x128xf32> to vector<64x128xf32>
    %reshape3A_1266 = vector.shape_cast %slice3A_1265 : vector<64x128xf32> to vector<8x8x128xf32>
    %swap3A_1267 = arith.constant 0 : index
    %swap3A_1268 = arith.constant 0 : index
    %swap3A_1269 = arith.constant 0 : index
    %swap3A_1270 = arith.constant 55 : index
    %swap3A_1271 = arith.constant 0 : index
    %swap3A_1272 = arith.constant 0 : index
    %swap3A_1273 = vector.load %arg3[%swap3A_1267, %swap3A_1268, %swap3A_1269, %swap3A_1270, %swap3A_1271, %swap3A_1272] : memref<1x8x2x64x8x128xf32, #tpu.memory_space<vmem>>, vector<1x8x1x1x8x128xf32>
    %swap3A_1274 = vector.shape_cast %swap3A_1273 : vector<1x8x1x1x8x128xf32> to vector<8x8x128xf32>
    %swap3A_1275 = vector.shape_cast %reshape3A_1266 : vector<8x8x128xf32> to vector<1x8x1x1x8x128xf32>
    tpu.vector_store %arg3[%swap3A_1267, %swap3A_1268, %swap3A_1269, %swap3A_1270, %swap3A_1271, %swap3A_1272], %swap3A_1275 {strides = array<i32>} : memref<1x8x2x64x8x128xf32, #tpu.memory_space<vmem>>, vector<1x8x1x1x8x128xf32>,
    %slice3A_1276 = vector.extract_strided_slice %slice3A_1264 {offsets = [64, 0], sizes = [64, 128], strides = [1, 1]} : vector<128x128xf32> to vector<64x128xf32>
    %reshape3A_1277 = vector.shape_cast %slice3A_1276 : vector<64x128xf32> to vector<8x8x128xf32>
    %swap3A_1278 = arith.constant 0 : index
    %swap3A_1279 = arith.constant 0 : index
    %swap3A_1280 = arith.constant 1 : index
    %swap3A_1281 = arith.constant 55 : index
    %swap3A_1282 = arith.constant 0 : index
    %swap3A_1283 = arith.constant 0 : index
    %swap3A_1284 = vector.load %arg3[%swap3A_1278, %swap3A_1279, %swap3A_1280, %swap3A_1281, %swap3A_1282, %swap3A_1283] : memref<1x8x2x64x8x128xf32, #tpu.memory_space<vmem>>, vector<1x8x1x1x8x128xf32>
    %swap3A_1285 = vector.shape_cast %swap3A_1284 : vector<1x8x1x1x8x128xf32> to vector<8x8x128xf32>
    %swap3A_1286 = vector.shape_cast %reshape3A_1277 : vector<8x8x128xf32> to vector<1x8x1x1x8x128xf32>
    tpu.vector_store %arg3[%swap3A_1278, %swap3A_1279, %swap3A_1280, %swap3A_1281, %swap3A_1282, %swap3A_1283], %swap3A_1286 {strides = array<i32>} : memref<1x8x2x64x8x128xf32, #tpu.memory_space<vmem>>, vector<1x8x1x1x8x128xf32>,
    %slice3A_1287 = vector.extract_strided_slice %transpose3A {offsets = [0, 7168], sizes = [128, 128], strides = [1, 1]} : vector<128x8192xf32> to vector<128x128xf32>
    %slice3A_1288 = vector.extract_strided_slice %slice3A_1287 {offsets = [0, 0], sizes = [64, 128], strides = [1, 1]} : vector<128x128xf32> to vector<64x128xf32>
    %reshape3A_1289 = vector.shape_cast %slice3A_1288 : vector<64x128xf32> to vector<8x8x128xf32>
    %swap3A_1290 = arith.constant 0 : index
    %swap3A_1291 = arith.constant 0 : index
    %swap3A_1292 = arith.constant 0 : index
    %swap3A_1293 = arith.constant 56 : index
    %swap3A_1294 = arith.constant 0 : index
    %swap3A_1295 = arith.constant 0 : index
    %swap3A_1296 = vector.load %arg3[%swap3A_1290, %swap3A_1291, %swap3A_1292, %swap3A_1293, %swap3A_1294, %swap3A_1295] : memref<1x8x2x64x8x128xf32, #tpu.memory_space<vmem>>, vector<1x8x1x1x8x128xf32>
    %swap3A_1297 = vector.shape_cast %swap3A_1296 : vector<1x8x1x1x8x128xf32> to vector<8x8x128xf32>
    %swap3A_1298 = vector.shape_cast %reshape3A_1289 : vector<8x8x128xf32> to vector<1x8x1x1x8x128xf32>
    tpu.vector_store %arg3[%swap3A_1290, %swap3A_1291, %swap3A_1292, %swap3A_1293, %swap3A_1294, %swap3A_1295], %swap3A_1298 {strides = array<i32>} : memref<1x8x2x64x8x128xf32, #tpu.memory_space<vmem>>, vector<1x8x1x1x8x128xf32>,
    %slice3A_1299 = vector.extract_strided_slice %slice3A_1287 {offsets = [64, 0], sizes = [64, 128], strides = [1, 1]} : vector<128x128xf32> to vector<64x128xf32>
    %reshape3A_1300 = vector.shape_cast %slice3A_1299 : vector<64x128xf32> to vector<8x8x128xf32>
    %swap3A_1301 = arith.constant 0 : index
    %swap3A_1302 = arith.constant 0 : index
    %swap3A_1303 = arith.constant 1 : index
    %swap3A_1304 = arith.constant 56 : index
    %swap3A_1305 = arith.constant 0 : index
    %swap3A_1306 = arith.constant 0 : index
    %swap3A_1307 = vector.load %arg3[%swap3A_1301, %swap3A_1302, %swap3A_1303, %swap3A_1304, %swap3A_1305, %swap3A_1306] : memref<1x8x2x64x8x128xf32, #tpu.memory_space<vmem>>, vector<1x8x1x1x8x128xf32>
    %swap3A_1308 = vector.shape_cast %swap3A_1307 : vector<1x8x1x1x8x128xf32> to vector<8x8x128xf32>
    %swap3A_1309 = vector.shape_cast %reshape3A_1300 : vector<8x8x128xf32> to vector<1x8x1x1x8x128xf32>
    tpu.vector_store %arg3[%swap3A_1301, %swap3A_1302, %swap3A_1303, %swap3A_1304, %swap3A_1305, %swap3A_1306], %swap3A_1309 {strides = array<i32>} : memref<1x8x2x64x8x128xf32, #tpu.memory_space<vmem>>, vector<1x8x1x1x8x128xf32>,
    %slice3A_1310 = vector.extract_strided_slice %transpose3A {offsets = [0, 7296], sizes = [128, 128], strides = [1, 1]} : vector<128x8192xf32> to vector<128x128xf32>
    %slice3A_1311 = vector.extract_strided_slice %slice3A_1310 {offsets = [0, 0], sizes = [64, 128], strides = [1, 1]} : vector<128x128xf32> to vector<64x128xf32>
    %reshape3A_1312 = vector.shape_cast %slice3A_1311 : vector<64x128xf32> to vector<8x8x128xf32>
    %swap3A_1313 = arith.constant 0 : index
    %swap3A_1314 = arith.constant 0 : index
    %swap3A_1315 = arith.constant 0 : index
    %swap3A_1316 = arith.constant 57 : index
    %swap3A_1317 = arith.constant 0 : index
    %swap3A_1318 = arith.constant 0 : index
    %swap3A_1319 = vector.load %arg3[%swap3A_1313, %swap3A_1314, %swap3A_1315, %swap3A_1316, %swap3A_1317, %swap3A_1318] : memref<1x8x2x64x8x128xf32, #tpu.memory_space<vmem>>, vector<1x8x1x1x8x128xf32>
    %swap3A_1320 = vector.shape_cast %swap3A_1319 : vector<1x8x1x1x8x128xf32> to vector<8x8x128xf32>
    %swap3A_1321 = vector.shape_cast %reshape3A_1312 : vector<8x8x128xf32> to vector<1x8x1x1x8x128xf32>
    tpu.vector_store %arg3[%swap3A_1313, %swap3A_1314, %swap3A_1315, %swap3A_1316, %swap3A_1317, %swap3A_1318], %swap3A_1321 {strides = array<i32>} : memref<1x8x2x64x8x128xf32, #tpu.memory_space<vmem>>, vector<1x8x1x1x8x128xf32>,
    %slice3A_1322 = vector.extract_strided_slice %slice3A_1310 {offsets = [64, 0], sizes = [64, 128], strides = [1, 1]} : vector<128x128xf32> to vector<64x128xf32>
    %reshape3A_1323 = vector.shape_cast %slice3A_1322 : vector<64x128xf32> to vector<8x8x128xf32>
    %swap3A_1324 = arith.constant 0 : index
    %swap3A_1325 = arith.constant 0 : index
    %swap3A_1326 = arith.constant 1 : index
    %swap3A_1327 = arith.constant 57 : index
    %swap3A_1328 = arith.constant 0 : index
    %swap3A_1329 = arith.constant 0 : index
    %swap3A_1330 = vector.load %arg3[%swap3A_1324, %swap3A_1325, %swap3A_1326, %swap3A_1327, %swap3A_1328, %swap3A_1329] : memref<1x8x2x64x8x128xf32, #tpu.memory_space<vmem>>, vector<1x8x1x1x8x128xf32>
    %swap3A_1331 = vector.shape_cast %swap3A_1330 : vector<1x8x1x1x8x128xf32> to vector<8x8x128xf32>
    %swap3A_1332 = vector.shape_cast %reshape3A_1323 : vector<8x8x128xf32> to vector<1x8x1x1x8x128xf32>
    tpu.vector_store %arg3[%swap3A_1324, %swap3A_1325, %swap3A_1326, %swap3A_1327, %swap3A_1328, %swap3A_1329], %swap3A_1332 {strides = array<i32>} : memref<1x8x2x64x8x128xf32, #tpu.memory_space<vmem>>, vector<1x8x1x1x8x128xf32>,
    %slice3A_1333 = vector.extract_strided_slice %transpose3A {offsets = [0, 7424], sizes = [128, 128], strides = [1, 1]} : vector<128x8192xf32> to vector<128x128xf32>
    %slice3A_1334 = vector.extract_strided_slice %slice3A_1333 {offsets = [0, 0], sizes = [64, 128], strides = [1, 1]} : vector<128x128xf32> to vector<64x128xf32>
    %reshape3A_1335 = vector.shape_cast %slice3A_1334 : vector<64x128xf32> to vector<8x8x128xf32>
    %swap3A_1336 = arith.constant 0 : index
    %swap3A_1337 = arith.constant 0 : index
    %swap3A_1338 = arith.constant 0 : index
    %swap3A_1339 = arith.constant 58 : index
    %swap3A_1340 = arith.constant 0 : index
    %swap3A_1341 = arith.constant 0 : index
    %swap3A_1342 = vector.load %arg3[%swap3A_1336, %swap3A_1337, %swap3A_1338, %swap3A_1339, %swap3A_1340, %swap3A_1341] : memref<1x8x2x64x8x128xf32, #tpu.memory_space<vmem>>, vector<1x8x1x1x8x128xf32>
    %swap3A_1343 = vector.shape_cast %swap3A_1342 : vector<1x8x1x1x8x128xf32> to vector<8x8x128xf32>
    %swap3A_1344 = vector.shape_cast %reshape3A_1335 : vector<8x8x128xf32> to vector<1x8x1x1x8x128xf32>
    tpu.vector_store %arg3[%swap3A_1336, %swap3A_1337, %swap3A_1338, %swap3A_1339, %swap3A_1340, %swap3A_1341], %swap3A_1344 {strides = array<i32>} : memref<1x8x2x64x8x128xf32, #tpu.memory_space<vmem>>, vector<1x8x1x1x8x128xf32>,
    %slice3A_1345 = vector.extract_strided_slice %slice3A_1333 {offsets = [64, 0], sizes = [64, 128], strides = [1, 1]} : vector<128x128xf32> to vector<64x128xf32>
    %reshape3A_1346 = vector.shape_cast %slice3A_1345 : vector<64x128xf32> to vector<8x8x128xf32>
    %swap3A_1347 = arith.constant 0 : index
    %swap3A_1348 = arith.constant 0 : index
    %swap3A_1349 = arith.constant 1 : index
    %swap3A_1350 = arith.constant 58 : index
    %swap3A_1351 = arith.constant 0 : index
    %swap3A_1352 = arith.constant 0 : index
    %swap3A_1353 = vector.load %arg3[%swap3A_1347, %swap3A_1348, %swap3A_1349, %swap3A_1350, %swap3A_1351, %swap3A_1352] : memref<1x8x2x64x8x128xf32, #tpu.memory_space<vmem>>, vector<1x8x1x1x8x128xf32>
    %swap3A_1354 = vector.shape_cast %swap3A_1353 : vector<1x8x1x1x8x128xf32> to vector<8x8x128xf32>
    %swap3A_1355 = vector.shape_cast %reshape3A_1346 : vector<8x8x128xf32> to vector<1x8x1x1x8x128xf32>
    tpu.vector_store %arg3[%swap3A_1347, %swap3A_1348, %swap3A_1349, %swap3A_1350, %swap3A_1351, %swap3A_1352], %swap3A_1355 {strides = array<i32>} : memref<1x8x2x64x8x128xf32, #tpu.memory_space<vmem>>, vector<1x8x1x1x8x128xf32>,
    %slice3A_1356 = vector.extract_strided_slice %transpose3A {offsets = [0, 7552], sizes = [128, 128], strides = [1, 1]} : vector<128x8192xf32> to vector<128x128xf32>
    %slice3A_1357 = vector.extract_strided_slice %slice3A_1356 {offsets = [0, 0], sizes = [64, 128], strides = [1, 1]} : vector<128x128xf32> to vector<64x128xf32>
    %reshape3A_1358 = vector.shape_cast %slice3A_1357 : vector<64x128xf32> to vector<8x8x128xf32>
    %swap3A_1359 = arith.constant 0 : index
    %swap3A_1360 = arith.constant 0 : index
    %swap3A_1361 = arith.constant 0 : index
    %swap3A_1362 = arith.constant 59 : index
    %swap3A_1363 = arith.constant 0 : index
    %swap3A_1364 = arith.constant 0 : index
    %swap3A_1365 = vector.load %arg3[%swap3A_1359, %swap3A_1360, %swap3A_1361, %swap3A_1362, %swap3A_1363, %swap3A_1364] : memref<1x8x2x64x8x128xf32, #tpu.memory_space<vmem>>, vector<1x8x1x1x8x128xf32>
    %swap3A_1366 = vector.shape_cast %swap3A_1365 : vector<1x8x1x1x8x128xf32> to vector<8x8x128xf32>
    %swap3A_1367 = vector.shape_cast %reshape3A_1358 : vector<8x8x128xf32> to vector<1x8x1x1x8x128xf32>
    tpu.vector_store %arg3[%swap3A_1359, %swap3A_1360, %swap3A_1361, %swap3A_1362, %swap3A_1363, %swap3A_1364], %swap3A_1367 {strides = array<i32>} : memref<1x8x2x64x8x128xf32, #tpu.memory_space<vmem>>, vector<1x8x1x1x8x128xf32>,
    %slice3A_1368 = vector.extract_strided_slice %slice3A_1356 {offsets = [64, 0], sizes = [64, 128], strides = [1, 1]} : vector<128x128xf32> to vector<64x128xf32>
    %reshape3A_1369 = vector.shape_cast %slice3A_1368 : vector<64x128xf32> to vector<8x8x128xf32>
    %swap3A_1370 = arith.constant 0 : index
    %swap3A_1371 = arith.constant 0 : index
    %swap3A_1372 = arith.constant 1 : index
    %swap3A_1373 = arith.constant 59 : index
    %swap3A_1374 = arith.constant 0 : index
    %swap3A_1375 = arith.constant 0 : index
    %swap3A_1376 = vector.load %arg3[%swap3A_1370, %swap3A_1371, %swap3A_1372, %swap3A_1373, %swap3A_1374, %swap3A_1375] : memref<1x8x2x64x8x128xf32, #tpu.memory_space<vmem>>, vector<1x8x1x1x8x128xf32>
    %swap3A_1377 = vector.shape_cast %swap3A_1376 : vector<1x8x1x1x8x128xf32> to vector<8x8x128xf32>
    %swap3A_1378 = vector.shape_cast %reshape3A_1369 : vector<8x8x128xf32> to vector<1x8x1x1x8x128xf32>
    tpu.vector_store %arg3[%swap3A_1370, %swap3A_1371, %swap3A_1372, %swap3A_1373, %swap3A_1374, %swap3A_1375], %swap3A_1378 {strides = array<i32>} : memref<1x8x2x64x8x128xf32, #tpu.memory_space<vmem>>, vector<1x8x1x1x8x128xf32>,
    %slice3A_1379 = vector.extract_strided_slice %transpose3A {offsets = [0, 7680], sizes = [128, 128], strides = [1, 1]} : vector<128x8192xf32> to vector<128x128xf32>
    %slice3A_1380 = vector.extract_strided_slice %slice3A_1379 {offsets = [0, 0], sizes = [64, 128], strides = [1, 1]} : vector<128x128xf32> to vector<64x128xf32>
    %reshape3A_1381 = vector.shape_cast %slice3A_1380 : vector<64x128xf32> to vector<8x8x128xf32>
    %swap3A_1382 = arith.constant 0 : index
    %swap3A_1383 = arith.constant 0 : index
    %swap3A_1384 = arith.constant 0 : index
    %swap3A_1385 = arith.constant 60 : index
    %swap3A_1386 = arith.constant 0 : index
    %swap3A_1387 = arith.constant 0 : index
    %swap3A_1388 = vector.load %arg3[%swap3A_1382, %swap3A_1383, %swap3A_1384, %swap3A_1385, %swap3A_1386, %swap3A_1387] : memref<1x8x2x64x8x128xf32, #tpu.memory_space<vmem>>, vector<1x8x1x1x8x128xf32>
    %swap3A_1389 = vector.shape_cast %swap3A_1388 : vector<1x8x1x1x8x128xf32> to vector<8x8x128xf32>
    %swap3A_1390 = vector.shape_cast %reshape3A_1381 : vector<8x8x128xf32> to vector<1x8x1x1x8x128xf32>
    tpu.vector_store %arg3[%swap3A_1382, %swap3A_1383, %swap3A_1384, %swap3A_1385, %swap3A_1386, %swap3A_1387], %swap3A_1390 {strides = array<i32>} : memref<1x8x2x64x8x128xf32, #tpu.memory_space<vmem>>, vector<1x8x1x1x8x128xf32>,
    %slice3A_1391 = vector.extract_strided_slice %slice3A_1379 {offsets = [64, 0], sizes = [64, 128], strides = [1, 1]} : vector<128x128xf32> to vector<64x128xf32>
    %reshape3A_1392 = vector.shape_cast %slice3A_1391 : vector<64x128xf32> to vector<8x8x128xf32>
    %swap3A_1393 = arith.constant 0 : index
    %swap3A_1394 = arith.constant 0 : index
    %swap3A_1395 = arith.constant 1 : index
    %swap3A_1396 = arith.constant 60 : index
    %swap3A_1397 = arith.constant 0 : index
    %swap3A_1398 = arith.constant 0 : index
    %swap3A_1399 = vector.load %arg3[%swap3A_1393, %swap3A_1394, %swap3A_1395, %swap3A_1396, %swap3A_1397, %swap3A_1398] : memref<1x8x2x64x8x128xf32, #tpu.memory_space<vmem>>, vector<1x8x1x1x8x128xf32>
    %swap3A_1400 = vector.shape_cast %swap3A_1399 : vector<1x8x1x1x8x128xf32> to vector<8x8x128xf32>
    %swap3A_1401 = vector.shape_cast %reshape3A_1392 : vector<8x8x128xf32> to vector<1x8x1x1x8x128xf32>
    tpu.vector_store %arg3[%swap3A_1393, %swap3A_1394, %swap3A_1395, %swap3A_1396, %swap3A_1397, %swap3A_1398], %swap3A_1401 {strides = array<i32>} : memref<1x8x2x64x8x128xf32, #tpu.memory_space<vmem>>, vector<1x8x1x1x8x128xf32>,
    %slice3A_1402 = vector.extract_strided_slice %transpose3A {offsets = [0, 7808], sizes = [128, 128], strides = [1, 1]} : vector<128x8192xf32> to vector<128x128xf32>
    %slice3A_1403 = vector.extract_strided_slice %slice3A_1402 {offsets = [0, 0], sizes = [64, 128], strides = [1, 1]} : vector<128x128xf32> to vector<64x128xf32>
    %reshape3A_1404 = vector.shape_cast %slice3A_1403 : vector<64x128xf32> to vector<8x8x128xf32>
    %swap3A_1405 = arith.constant 0 : index
    %swap3A_1406 = arith.constant 0 : index
    %swap3A_1407 = arith.constant 0 : index
    %swap3A_1408 = arith.constant 61 : index
    %swap3A_1409 = arith.constant 0 : index
    %swap3A_1410 = arith.constant 0 : index
    %swap3A_1411 = vector.load %arg3[%swap3A_1405, %swap3A_1406, %swap3A_1407, %swap3A_1408, %swap3A_1409, %swap3A_1410] : memref<1x8x2x64x8x128xf32, #tpu.memory_space<vmem>>, vector<1x8x1x1x8x128xf32>
    %swap3A_1412 = vector.shape_cast %swap3A_1411 : vector<1x8x1x1x8x128xf32> to vector<8x8x128xf32>
    %swap3A_1413 = vector.shape_cast %reshape3A_1404 : vector<8x8x128xf32> to vector<1x8x1x1x8x128xf32>
    tpu.vector_store %arg3[%swap3A_1405, %swap3A_1406, %swap3A_1407, %swap3A_1408, %swap3A_1409, %swap3A_1410], %swap3A_1413 {strides = array<i32>} : memref<1x8x2x64x8x128xf32, #tpu.memory_space<vmem>>, vector<1x8x1x1x8x128xf32>,
    %slice3A_1414 = vector.extract_strided_slice %slice3A_1402 {offsets = [64, 0], sizes = [64, 128], strides = [1, 1]} : vector<128x128xf32> to vector<64x128xf32>
    %reshape3A_1415 = vector.shape_cast %slice3A_1414 : vector<64x128xf32> to vector<8x8x128xf32>
    %swap3A_1416 = arith.constant 0 : index
    %swap3A_1417 = arith.constant 0 : index
    %swap3A_1418 = arith.constant 1 : index
    %swap3A_1419 = arith.constant 61 : index
    %swap3A_1420 = arith.constant 0 : index
    %swap3A_1421 = arith.constant 0 : index
    %swap3A_1422 = vector.load %arg3[%swap3A_1416, %swap3A_1417, %swap3A_1418, %swap3A_1419, %swap3A_1420, %swap3A_1421] : memref<1x8x2x64x8x128xf32, #tpu.memory_space<vmem>>, vector<1x8x1x1x8x128xf32>
    %swap3A_1423 = vector.shape_cast %swap3A_1422 : vector<1x8x1x1x8x128xf32> to vector<8x8x128xf32>
    %swap3A_1424 = vector.shape_cast %reshape3A_1415 : vector<8x8x128xf32> to vector<1x8x1x1x8x128xf32>
    tpu.vector_store %arg3[%swap3A_1416, %swap3A_1417, %swap3A_1418, %swap3A_1419, %swap3A_1420, %swap3A_1421], %swap3A_1424 {strides = array<i32>} : memref<1x8x2x64x8x128xf32, #tpu.memory_space<vmem>>, vector<1x8x1x1x8x128xf32>,
    %slice3A_1425 = vector.extract_strided_slice %transpose3A {offsets = [0, 7936], sizes = [128, 128], strides = [1, 1]} : vector<128x8192xf32> to vector<128x128xf32>
    %slice3A_1426 = vector.extract_strided_slice %slice3A_1425 {offsets = [0, 0], sizes = [64, 128], strides = [1, 1]} : vector<128x128xf32> to vector<64x128xf32>
    %reshape3A_1427 = vector.shape_cast %slice3A_1426 : vector<64x128xf32> to vector<8x8x128xf32>
    %swap3A_1428 = arith.constant 0 : index
    %swap3A_1429 = arith.constant 0 : index
    %swap3A_1430 = arith.constant 0 : index
    %swap3A_1431 = arith.constant 62 : index
    %swap3A_1432 = arith.constant 0 : index
    %swap3A_1433 = arith.constant 0 : index
    %swap3A_1434 = vector.load %arg3[%swap3A_1428, %swap3A_1429, %swap3A_1430, %swap3A_1431, %swap3A_1432, %swap3A_1433] : memref<1x8x2x64x8x128xf32, #tpu.memory_space<vmem>>, vector<1x8x1x1x8x128xf32>
    %swap3A_1435 = vector.shape_cast %swap3A_1434 : vector<1x8x1x1x8x128xf32> to vector<8x8x128xf32>
    %swap3A_1436 = vector.shape_cast %reshape3A_1427 : vector<8x8x128xf32> to vector<1x8x1x1x8x128xf32>
    tpu.vector_store %arg3[%swap3A_1428, %swap3A_1429, %swap3A_1430, %swap3A_1431, %swap3A_1432, %swap3A_1433], %swap3A_1436 {strides = array<i32>} : memref<1x8x2x64x8x128xf32, #tpu.memory_space<vmem>>, vector<1x8x1x1x8x128xf32>,
    %slice3A_1437 = vector.extract_strided_slice %slice3A_1425 {offsets = [64, 0], sizes = [64, 128], strides = [1, 1]} : vector<128x128xf32> to vector<64x128xf32>
    %reshape3A_1438 = vector.shape_cast %slice3A_1437 : vector<64x128xf32> to vector<8x8x128xf32>
    %swap3A_1439 = arith.constant 0 : index
    %swap3A_1440 = arith.constant 0 : index
    %swap3A_1441 = arith.constant 1 : index
    %swap3A_1442 = arith.constant 62 : index
    %swap3A_1443 = arith.constant 0 : index
    %swap3A_1444 = arith.constant 0 : index
    %swap3A_1445 = vector.load %arg3[%swap3A_1439, %swap3A_1440, %swap3A_1441, %swap3A_1442, %swap3A_1443, %swap3A_1444] : memref<1x8x2x64x8x128xf32, #tpu.memory_space<vmem>>, vector<1x8x1x1x8x128xf32>
    %swap3A_1446 = vector.shape_cast %swap3A_1445 : vector<1x8x1x1x8x128xf32> to vector<8x8x128xf32>
    %swap3A_1447 = vector.shape_cast %reshape3A_1438 : vector<8x8x128xf32> to vector<1x8x1x1x8x128xf32>
    tpu.vector_store %arg3[%swap3A_1439, %swap3A_1440, %swap3A_1441, %swap3A_1442, %swap3A_1443, %swap3A_1444], %swap3A_1447 {strides = array<i32>} : memref<1x8x2x64x8x128xf32, #tpu.memory_space<vmem>>, vector<1x8x1x1x8x128xf32>,
    %slice3A_1448 = vector.extract_strided_slice %transpose3A {offsets = [0, 8064], sizes = [128, 128], strides = [1, 1]} : vector<128x8192xf32> to vector<128x128xf32>
    %slice3A_1449 = vector.extract_strided_slice %slice3A_1448 {offsets = [0, 0], sizes = [64, 128], strides = [1, 1]} : vector<128x128xf32> to vector<64x128xf32>
    %reshape3A_1450 = vector.shape_cast %slice3A_1449 : vector<64x128xf32> to vector<8x8x128xf32>
    %swap3A_1451 = arith.constant 0 : index
    %swap3A_1452 = arith.constant 0 : index
    %swap3A_1453 = arith.constant 0 : index
    %swap3A_1454 = arith.constant 63 : index
    %swap3A_1455 = arith.constant 0 : index
    %swap3A_1456 = arith.constant 0 : index
    %swap3A_1457 = vector.load %arg3[%swap3A_1451, %swap3A_1452, %swap3A_1453, %swap3A_1454, %swap3A_1455, %swap3A_1456] : memref<1x8x2x64x8x128xf32, #tpu.memory_space<vmem>>, vector<1x8x1x1x8x128xf32>
    %swap3A_1458 = vector.shape_cast %swap3A_1457 : vector<1x8x1x1x8x128xf32> to vector<8x8x128xf32>
    %swap3A_1459 = vector.shape_cast %reshape3A_1450 : vector<8x8x128xf32> to vector<1x8x1x1x8x128xf32>
    tpu.vector_store %arg3[%swap3A_1451, %swap3A_1452, %swap3A_1453, %swap3A_1454, %swap3A_1455, %swap3A_1456], %swap3A_1459 {strides = array<i32>} : memref<1x8x2x64x8x128xf32, #tpu.memory_space<vmem>>, vector<1x8x1x1x8x128xf32>,
    %slice3A_1460 = vector.extract_strided_slice %slice3A_1448 {offsets = [64, 0], sizes = [64, 128], strides = [1, 1]} : vector<128x128xf32> to vector<64x128xf32>
    %reshape3A_1461 = vector.shape_cast %slice3A_1460 : vector<64x128xf32> to vector<8x8x128xf32>
    %swap3A_1462 = arith.constant 0 : index
    %swap3A_1463 = arith.constant 0 : index
    %swap3A_1464 = arith.constant 1 : index
    %swap3A_1465 = arith.constant 63 : index
    %swap3A_1466 = arith.constant 0 : index
    %swap3A_1467 = arith.constant 0 : index
    %swap3A_1468 = vector.load %arg3[%swap3A_1462, %swap3A_1463, %swap3A_1464, %swap3A_1465, %swap3A_1466, %swap3A_1467] : memref<1x8x2x64x8x128xf32, #tpu.memory_space<vmem>>, vector<1x8x1x1x8x128xf32>
    %swap3A_1469 = vector.shape_cast %swap3A_1468 : vector<1x8x1x1x8x128xf32> to vector<8x8x128xf32>
    %swap3A_1470 = vector.shape_cast %reshape3A_1461 : vector<8x8x128xf32> to vector<1x8x1x1x8x128xf32>
    tpu.vector_store %arg3[%swap3A_1462, %swap3A_1463, %swap3A_1464, %swap3A_1465, %swap3A_1466, %swap3A_1467], %swap3A_1470 {strides = array<i32>} : memref<1x8x2x64x8x128xf32, #tpu.memory_space<vmem>>, vector<1x8x1x1x8x128xf32>,
    return
  }
  func.func @transform_0(%arg0: i32, %arg1: i32) -> (i32, i32) {
    %mul3A = arith.constant 1 : i32
    %mul3A_0 = arith.muli %arg0, %mul3A : i32
    %add3A = arith.addi %mul3A_0, %arg1 : i32
    %c0_i32 = arith.constant 0 : i32
    %c0_i32_1 = arith.constant 0 : i32
    return %add3A, %c0_i32 : i32, i32
  }
  func.func @transform_1(%arg0: i32, %arg1: i32) -> (i32, i32, i32, i32, i32, i32) {
    %c0_i32 = arith.constant 0 : i32
    %c0_i32_0 = arith.constant 0 : i32
    %c0_i32_1 = arith.constant 0 : i32
    %c0_i32_2 = arith.constant 0 : i32
    %c0_i32_3 = arith.constant 0 : i32
    return %arg0, %c0_i32, %c0_i32_0, %arg1, %c0_i32_1, %c0_i32_2 : i32, i32, i32, i32, i32, i32
  }
}

</mosaic_0001>

<sc_bundles>
// kernel: kernel.5.cloned.1.call-start
scs
__scs_entry_jumppad:
0x0: {  	(pc) =	sbr.rel $0x88, $3  }
0x1: {  	(tag) =	ssettag $0x0;
	lr =	simm.s32 $0x1  }
0x2: {  	[smem:$0x3F9D] =	sst lr;
	_ =	strace $0xD0000000  }
0x3: {  	_ = 	snop  }
0x4: {  	_ = 	snop  }
0x5: {  	_ = 	snop  }
0x6: {  	_ = 	snop  }
0x7: {  	_ = 	snop  }
__scs_overlays_trampoline_lowered:
0x8: {  	[smem:$0x3FAC] =	sst s0  }
0x9: {  	[smem:$0x3FAD] =	sst s1  }
0xa: {  	[smem:$0x3FAE] =	sst s2  }
0xb: {  	[smem:$0x3FAF] =	sst s3  }
0xc: {  	[smem:$0x3FB0] =	sst s4  }
0xd: {  	[smem:$0x3FB1] =	sst s5  }
0xe: {  	[smem:$0x3FB2] =	sst s6  }
0xf: {  	[smem:$0x3FB3] =	sst s7  }
0x10: {  	[smem:$0x3FB4] =	sst s8  }
0x11: {  	[smem:$0x3FB5] =	sst s9;
	s0 =	simm.s32 @!p0 $0x0  }
0x12: {  	s1 =	sld [smem:$0x3F9B];
	s0 =	simm.s32 @p0 $0x1  }
0x13: {  	[smem:$0x3FB6] =	sst s0;
	s0 =	simm.s32 @!p1 $0x0  }
0x14: {  	s2 =	sld [smem:$0x3F9A];
	s0 =	simm.s32 @p1 $0x1  }
0x15: {  	[smem:$0x3FB7] =	sst s0;
	s0 =	simm.s32 @!p2 $0x0  }
0x16: {  	s3 =	sld [smem:$0x3FDB];
	s0 =	simm.s32 @p2 $0x1  }
0x17: {  	s4 =	simm.s32 $0x1BF5;
	[smem:$0x3FB9] =	sst s0  }
0x18: {  	s0 =	sld [smem:$0x3F9C];
	_ =	swait.ge [sflag:s4], $0x0  }
0x19: {  	s7 =	sld [smem:$0x3F9D]  }
0x1a: {  	s8 =	sadd.s32 $0xFFFFE003, lr  }
0x1b: {  	s9 =	sadd.s32 $0xFFFFFEF7, lr;
	s5 =	simm.s32 $0xFFFFFFFF;
	p2 =	slt.u32 s8, $0xFFFFF086  }
0x1c: {  	p1 =	slt.u32 s9, $0xF7A;
	s5 =	simm.s32 @!p2 $0x0  }
0x1d: {  	s5 =	simm.s32 @p1 $0x1;
	p0 =	seq.s32 s7, s2  }
0x1e: {  	s7 =	smul.u32 @!p0 $0xF7A, s2;
	p2 =	seq.s32 @!p0 s5, $0x0  }
0x1f: {  	s9 =	smul.u32 $0xF7A, s1;
	s8 =	simm.s32 @!p0 $0x1BF5;
	p2 =	por !p2, p0  }
0x20: {  	[sflag:s8] =	ssyncset.s32 @!p0 $0xFFFFF086;
	s6 =	sadd.s32 @!p0 s3, s7;
	s7 =	simm.s32 @!p0 $0x108  }
0x21: {  	s3 =	sadd.s32 s3, s9;
	s6 =	sadd.s32 @!p0 $0x88, s6;
	s7 =	simm.s32 @p2 $0x1082  }
0x22: {  	[simem:s7], [sflag:s8] =	dma.local @!p0 [hbm:s6], $0xF7A  }
0x23: {  	s9 =	sor.u32 $0xD0000000, s2;
	s6 =	simm.s32 $0x108;
	_ =	swait.ge @!p0 [sflag:s8], $0x0  }
0x24: {  	s3 =	sadd.s32 $0x88, s3;
	s6 =	simm.s32 @!p1 $0x1082;
	[sflag:s4] =	ssyncset.s32 $0xFFFFF086  }
0x25: {  	[simem:s6], [sflag:s4] =	dma.local [hbm:s3], $0xF7A  }
0x26: {  	[smem:$0x3F9D] =	sst s1;
	(tag) =	ssettag s2;
	_ =	strace s9  }
0x27: {  	s1 =	sld [smem:$0x3FAD]  }
0x28: {  	s2 =	sld [smem:$0x3FAE]  }
0x29: {  	s4 =	sld [smem:$0x3FB0]  }
0x2a: {  	p0 =	seq.s32 s5, $0x0;
	s5 =	sld [smem:$0x3FB1]  }
0x2b: {  	s6 =	sld [smem:$0x3FB2]  }
0x2c: {  	s7 =	sld [smem:$0x3FB3]  }
0x2d: {  	s3 =	simm.s32 $0x108;
	s8 =	sld [smem:$0x3FB4]  }
0x2e: {  	s3 =	simm.s32 @!p0 $0x1082;
	s9 =	sld [smem:$0x3FB5]  }
0x2f: {  	lr =	sadd.s32 s0, s3;
	s0 =	sld [smem:$0x3FAC]  }
0x30: {  	s3 =	sld [smem:$0x3FAF]  }
0x31: {  	[smem:$0x3FB8] =	sst s10  }
0x32: {  	s10 =	sld [smem:$0x3FB6];
	_ =	sdelay $0x3  }
0x33: {  	p0 =	seq.s32 s10, $0x1;
	s10 =	sld [smem:$0x3FB8];
	_ =	sdelay $0x3  }
0x34: {  	[smem:$0x3FB8] =	sst s10  }
0x35: {  	s10 =	sld [smem:$0x3FB7];
	_ =	sdelay $0x3  }
0x36: {  	p1 =	seq.s32 s10, $0x1;
	s10 =	sld [smem:$0x3FB8];
	_ =	sdelay $0x3  }
0x37: {  	[smem:$0x3FB8] =	sst s10  }
0x38: {  	s10 =	sld [smem:$0x3FB9]  }
0x39: {  	_ = 	snop;
	(pc) =	sbr.ind lr, $3  }
0x3a: {  	_ = 	snop  }
0x3b: {  	_ = 	snop  }
0x3c: {  	p2 =	seq.s32 s10, $0x1;
	s10 =	sld [smem:$0x3FB8]  }
0x3d: {  	_ =	shalt  }
0x3e: {  	_ =	shalt  }
0x3f: {  	_ =	shalt  }
0x40: {  	_ =	shalt  }
0x41: {  	_ =	shalt  }
0x42: {  	_ =	shalt  }
0x43: {  	_ =	shalt  }
0x44: {  	_ =	shalt  }
0x45: {  	_ =	shalt  }
0x46: {  	_ =	shalt  }
0x47: {  	_ =	shalt  }
0x48: {  	_ =	shalt  }
0x49: {  	_ =	shalt  }
0x4a: {  	_ =	shalt  }
0x4b: {  	_ =	shalt  }
0x4c: {  	_ =	shalt  }
0x4d: {  	_ =	shalt  }
0x4e: {  	_ =	shalt  }
0x4f: {  	_ =	shalt  }
0x50: {  	_ =	shalt  }
0x51: {  	_ =	shalt  }
0x52: {  	_ =	shalt  }
0x53: {  	_ =	shalt  }
0x54: {  	_ =	shalt  }
0x55: {  	_ =	shalt  }
0x56: {  	_ =	shalt  }
0x57: {  	_ =	shalt  }
0x58: {  	_ =	shalt  }
0x59: {  	_ =	shalt  }
0x5a: {  	_ =	shalt  }
0x5b: {  	_ =	shalt  }
0x5c: {  	_ =	shalt  }
0x5d: {  	_ =	shalt  }
0x5e: {  	_ =	shalt  }
0x5f: {  	_ =	shalt  }
0x60: {  	_ =	shalt  }
0x61: {  	_ =	shalt  }
0x62: {  	_ =	shalt  }
0x63: {  	_ =	shalt  }
0x64: {  	_ =	shalt  }
0x65: {  	_ =	shalt  }
0x66: {  	_ =	shalt  }
0x67: {  	_ =	shalt  }
0x68: {  	_ =	shalt  }
0x69: {  	_ =	shalt  }
0x6a: {  	_ =	shalt  }
0x6b: {  	_ =	shalt  }
0x6c: {  	_ =	shalt  }
0x6d: {  	_ =	shalt  }
0x6e: {  	_ =	shalt  }
0x6f: {  	_ =	shalt  }
0x70: {  	_ =	shalt  }
0x71: {  	_ =	shalt  }
0x72: {  	_ =	shalt  }
0x73: {  	_ =	shalt  }
0x74: {  	_ =	shalt  }
0x75: {  	_ =	shalt  }
0x76: {  	_ =	shalt  }
0x77: {  	_ =	shalt  }
0x78: {  	_ =	shalt  }
0x79: {  	_ =	shalt  }
0x7a: {  	_ =	shalt  }
0x7b: {  	_ =	shalt  }
0x7c: {  	_ =	shalt  }
0x7d: {  	_ =	shalt  }
0x7e: {  	_ =	shalt  }
0x7f: {  	_ =	shalt  }
0x80: {  	_ =	shalt  }
0x81: {  	_ =	shalt  }
0x82: {  	_ =	shalt  }
0x83: {  	_ =	shalt  }
0x84: {  	_ =	shalt  }
0x85: {  	_ =	shalt  }
0x86: {  	_ =	shalt  }
0x87: {  	_ =	shalt  }
.Lfunc_end0:
.L_simem_size_0:
called_computation_lowered:
.L_overlay_start_0:
0x88: {  	s2 =	sld [smem:$0x3FD9]  }
0x89: {  	s3 =	sld [smem:$0x3FFE];
	_ =	sdelay $0x1  }
0x8a: {  	s1 =	srdreg.scid  }
0x8b: {  	s0 =	sand.u32 $0x1, s1  }
0x8c: {  	s17 =	sshll.u32 s0, $0xA;
	s2 =	sadd.s32 s3, s2  }
0x8d: {  	s2 =	sadd.s32 s2, s17  }
0x8e: {  	[smem:$0x3FC4] =	sst s2  }
0x8f: {  	_ = 	snop  }
0x90: {  	s2 =	sld [smem:$0x3FD0];
	(tm) =	ssettm $0x1  }
0x91: {  	s18 =	sld [smem:$0x3FFB];
	_ =	sdelay $0x3  }
0x92: {  	_ =	strace s18  }
0x93: {  	s3 =	sld [smem:$0x3FFC];
	_ =	sdelay $0x3  }
0x94: {  	_ =	strace s3  }
0x95: {  	s3 =	sld [smem:$0x3FFD];
	_ =	sdelay $0x3  }
0x96: {  	_ =	strace s3  }
0x97: {  	_ =	strace $0x8FFFFFFF  }
0x98: {  	s19 =	sld [smem:$0x3FDB];
	_ =	sdelay $0x1  }
0x99: {  	s4 =	simm.s32 $_scs_section_size  }
0x9a: {  	s5 =	simm.s32 $_size__tile_overlayer_lowered;
	s6 =	simm.s32 $_tile_overlayer_lowered  }
0x9b: {  	s22 =	simm.s32 $0x1BFF;
	s21 =	sshll.u32 s6, $0x1;
	s3 =	sadd.s32 s4, s19  }
0x9c: {  	s7 =	simm.s32 $0x0;
	s20 =	sshll.u32 s5, $0x1;
	s5 =	sadd.s32 s21, s3  }
0x9d: {  	[timem:s7], [sflag:s22] =	dma.local [hbm:s5], s20  }
0x9e: {  	_ =	swait.ge [sflag:s22], s20  }
0x9f: {  	s4 =	ssub.s32 $0x0, s20;
	[sflag:s22] =	ssyncset.done $0x0  }
0xa0: {  	[sflag:s22] =	ssyncadd.s32 s4;
	_ =	sdelay $0x1  }
0xa1: {  	s23 =	simm.s32 $0x1B8B  }
0xa2: {  	_ =	swait.ge [sflag:s23], $0x1  }
0xa3: {  	[sflag:s23] =	ssyncset.done $0x0  }
0xa4: {  	s25 =	simm.s32 $0x1B8E;
	s24 =	sld [smem:$0x3FFE];
	[sflag:s23] =	ssyncadd.s32 $0xFFFFFFFF  }
0xa5: {  	s26 =	simm.s32 $execute0_lowered;
	[smem:$0x3FD2] =	sst s25  }
0xa6: {  	s5 =	sshll.u32 s26, $0x1;
	_ =	strace $0x80000046;
	[dreg:$0x1] =	wrdreg $0xFFFFFFFF  }
0xa7: {  	s28 =	simm.s32 $_size_execute0_lowered;
	s3 =	sadd.s32 s3, s5;
	[dreg:$0x0] =	wrdreg $0x0  }
0xa8: {  	s5 =	sshll.u32 s28, $0x1;
	[dreg:$0x2] =	wrdreg s3  }
0xa9: {  	[dreg:$0x3] =	wrdreg s5  }
0xaa: {  	[dreg:$0x4] =	wrdreg $0xC0  }
0xab: {  	_ =	task [dreg:s7], $0x5FFFF  }
0xac: {  	[dreg:$0x1] =	wrdreg $0xFFFFFFFF  }
0xad: {  	[dreg:$0x0] =	wrdreg $0x60  }
0xae: {  	[dreg:$0x2] =	wrdreg s24  }
0xaf: {  	[dreg:$0x3] =	wrdreg s2  }
0xb0: {  	[dreg:$0x4] =	wrdreg $0x9  }
0xb1: {  	_ =	task.clear_ibuf [dreg:s7], $0x5FFFF;
	_ =	strace $0x90000046  }
0xb2: {  	s29 =	simm.s32 $0x9;
	_ =	strace $0x80000048  }
0xb3: {  	_ =	swait.ge [sflag:s29], $0x1  }
0xb4: {  	[sflag:s29] =	ssyncadd.s32 $0xFFFFFFFF  }
0xb5: {  	_ =	strace $0x90000048  }
0xb6: {  	_ =	sfence  }
0xb7: {  	s30 =	sld [smem:$0x0];
	_ =	sdelay $0x2  }
0xb8: {  	s31 =	sshll.u32 s1, $0xD;
	s1 =	sshrl.u32 s1, $0x2  }
0xb9: {  	s3 =	sand.u32 $0x4000, s31;
	s1 =	sadd.s32 s1, s30  }
0xba: {  	s0 =	sor.u32 s3, s0;
	s1 =	sshll.u32 s1, $0x11  }
0xbb: {  	s0 =	sor.u32 s1, s0  }
0xbc: {  	s0 =	sadd.s32 $0x8F2B, s0  }
0xbd: {  	[sflag:s0] =	ssyncadd.remote.s32 $0x1  }
0xbe: {  	_ =	sfence.sel $0xFFFF  }
0xbf: {  	[dreg:$0x0] =	wrdreg $0xFFFFFFFF;
	(pc) =	sbr.abs _section_cstart, $3  }
0xc0: {  	[dreg:$0x1] =	wrdreg $0xFFFFFFFF  }
0xc1: {  	_ =	task.clear_ibuf [dreg:s7], $0x2FFFF;
	_ =	strace $0x9FFFFFFF  }
0xc2: {  	(tm) =	ssettm $0x7FFFFFFF  }
0xc3: {  	_ =	shalt  }
tec
execute0_lowered:
.L_overlay_start_1:
0x0: {  	(tag) =	ssettag $0x1  }
0x1: {  	s5 =	rddreg [dreg:$0x0];
	s1 =	srdreg.scid  }
0x2: {  	s0 =	stileid.u32;
	s2 =	rddreg [dreg:$0x1]  }
0x3: {  	s3 =	simm.s32 $0x0;
	s16 =	simm.s32 $0x8400;
	s17 =	simm.s32 $0x1  }
0x4: {  	s18 =	simm.s32 $0x40;
	s19 =	simm.s32 $0x80;
	s20 =	simm.s32 $0x2  }
0x5: {  	s21 =	simm.s32 $0x200;
	s22 =	simm.s32 $0x3;
	s23 =	simm.s32 $0x4  }
0x6: {  	s24 =	simm.s32 $0x0;
	s7 =	sand.u32 $0x1, s1;
	s26 =	smul.u32 $0x64000, s0  }
0x7: {  	s4 =	sshll.u32 s0, $0x1;
	[smem:$0x7FF] =	sst s3;
	s29 =	smul.u32 $0x6400, s0  }
0x8: {  	s13 =	sadd.s32 $0x7C0800, s5;
	s6 =	sor.u32 s7, s4;
	s28 =	smul.u32 $0x32000, s7  }
0x9: {  	_ =	strace $0x80000047;
	s9 =	ssub.s32 $0x2, s7;
	s14 =	smul.u32 $0x3200, s7  }
0xa: {  	s4 =	sadd.s32 $0x800, s5;
	s5 =	sadd.s32 $0x400, s2;
	s8 =	smul.u32 $0x3200, s6  }
0xb: {  	s10 =	smul.u32 $0x6400, s6;
	s11 =	sshrl.u32 s9, $0x1;
	s15 =	sadd.s32 s26, s13  }
0xc: {  	s12 =	smul.u32 $0x32000, s6;
	s25 =	ssub.s32 s9, s11;
	s30 =	sadd.s32 s28, s15  }
0xd: {  	s15 =	simm.s32 $0x400;
	s8 =	sand.u32 $0x1E00, s8;
	s10 =	sand.u32 $0xFC000, s10  }
0xe: {  	s6 =	smax.u32 s25, $0x1;
	s9 =	sadd.s32 s13, s12;
	s12 =	sadd.s32 $0x2008, s30  }
0xf: {  	s8 =	sor.u32 s8, s10;
	s10 =	sadd.s32 s14, s29;
	s11 =	sadd.s32 $0x8, s9  }
0x10: {  	s14 =	simm.s32 $0x5;
	s8 =	sshrl.u32 s8, $0x3;
	s31 =	sshll.u32 s10, $0x1  }
0x11: {  	s7 =	sadd.s32 s2, s8;
	s8 =	sadd.s32 s8, s5;
	s13 =	sadd.s32 $0x400, s31  }
.LBB2_1:
0x12: {  	[tilespmem:s3], [sflag:$0x5] =	stream.linear.gather [hbm4b:s7+s3], $0x200, $0x38;
	[tilespmem:$0x10400] =	vst v63  }
0x13: {  	_ =	swait.ge [sflag:s14], $0x200  }
0x14: {  	[sflag:s14] =	ssyncset.done $0x0  }
0x15: {  	[sflag:s14] =	ssyncadd.s32 $0xFFFFFE00  }
0x16: {  	[tilespmem:s21], [sflag:$0x5] =	stream.linear.gather [hbm4b:s8+s3], $0x200, $0x38;
	[tilespmem:$0x10400] =	vst v63  }
0x17: {  	_ =	swait.ge [sflag:s14], $0x200  }
0x18: {  	[sflag:s14] =	ssyncset.done $0x0  }
0x19: {  	[sflag:s14] =	ssyncadd.s32 $0xFFFFFE00  }
0x1a: {  	[tilespmem:s15], [sflag:$0x1] =	stream.indirect.gather [hbm4b:s4+s21], $0x40, s3, s21, $0xb8;
	[tilespmem:$0x10400] =	vst v63  }
0x1b: {  	_ = 	snop  }
0x1c: {  	[tilespmem:s16], [sflag:$0x2] =	stream.indirect.gather [hbm4b:s4+s21], $0x40, s21, s21, $0xb8;
	[tilespmem:$0x10400] =	vst v63  }
0x1d: {  	_ =	swait.ge [sflag:s17], $0x8000  }
0x1e: {  	[sflag:s17] =	ssyncset.done $0x0  }
0x1f: {  	s25 =	sadd.s32 $0x200, s10;
	[sflag:s17] =	ssyncadd.s32 $0xFFFF8000  }
0x20: {  	[hbm4b:s9+s18] =	stream.strided.scatter [tilespmem:s15], [sflag:$0x3], $0x8000, s19, s18, $0x38;
	[tilespmem:$0x10400] =	vst v63  }
0x21: {  	s26 =	sand.u32 $0x7FFFC000, s13;
	s25 =	sand.u32 $0x1E00, s25;
	_ =	swait.ge [sflag:s20], $0x8000  }
0x22: {  	s25 =	sor.u32 s25, s26;
	[sflag:s20] =	ssyncset.done $0x0  }
0x23: {  	s25 =	sshrl.u32 s25, $0x3;
	[sflag:s20] =	ssyncadd.s32 $0xFFFF8000  }
0x24: {  	[hbm4b:s11+s18] =	stream.strided.scatter [tilespmem:s16], [sflag:$0x4], $0x8000, s19, s18, $0x38;
	[tilespmem:$0x10400] =	vst v63  }
0x25: {  	s1 =	sadd.s32 s2, s25  }
0x26: {  	[tilespmem:s3], [sflag:$0x5] =	stream.linear.gather [hbm4b:s1+s3], $0x200, $0x38;
	[tilespmem:$0x10400] =	vst v63  }
0x27: {  	_ =	swait.ge [sflag:s14], $0x200  }
0x28: {  	[sflag:s14] =	ssyncset.done $0x0  }
0x29: {  	s25 =	sadd.s32 s25, s5;
	[sflag:s14] =	ssyncadd.s32 $0xFFFFFE00  }
0x2a: {  	[tilespmem:s21], [sflag:$0x5] =	stream.linear.gather [hbm4b:s25+s3], $0x200, $0x38;
	[tilespmem:$0x10400] =	vst v63  }
0x2b: {  	_ =	swait.ge [sflag:s14], $0x200  }
0x2c: {  	[sflag:s14] =	ssyncset.done $0x0  }
0x2d: {  	[sflag:s14] =	ssyncadd.s32 $0xFFFFFE00  }
0x2e: {  	_ =	swait.ge [sflag:s22], $0x8000  }
0x2f: {  	[sflag:s22] =	ssyncset.done $0x0  }
0x30: {  	[sflag:s22] =	ssyncadd.s32 $0xFFFF8000  }
0x31: {  	_ =	swait.ge [sflag:s23], $0x8000  }
0x32: {  	[sflag:s23] =	ssyncset.done $0x0  }
0x33: {  	[sflag:s23] =	ssyncadd.s32 $0xFFFF8000  }
0x34: {  	[tilespmem:s15], [sflag:$0x1] =	stream.indirect.gather [hbm4b:s4+s21], $0x40, s3, s21, $0xb8;
	[tilespmem:$0x10400] =	vst v63  }
0x35: {  	_ = 	snop  }
0x36: {  	[tilespmem:s16], [sflag:$0x2] =	stream.indirect.gather [hbm4b:s4+s21], $0x40, s21, s21, $0xb8;
	[tilespmem:$0x10400] =	vst v63  }
0x37: {  	_ =	swait.ge [sflag:s17], $0x8000  }
0x38: {  	s31 =	sadd.s32 $0x400, s10;
	[sflag:s17] =	ssyncset.done $0x0  }
0x39: {  	s28 =	sadd.s32 $0xFFFFFFF8, s12;
	s26 =	sadd.s32 $0x400, s13;
	[sflag:s17] =	ssyncadd.s32 $0xFFFF8000  }
0x3a: {  	[hbm4b:s28+s18] =	stream.strided.scatter [tilespmem:s15], [sflag:$0x3], $0x8000, s19, s18, $0x38;
	[tilespmem:$0x10400] =	vst v63  }
0x3b: {  	s25 =	sand.u32 $0x1E00, s31;
	s28 =	sand.u32 $0x7FFFC000, s26  }
0x3c: {  	s29 =	simm.s32 $0x600;
	_ =	swait.ge [sflag:s20], $0x8000;
	s30 =	sor.u32 s25, s28  }
0x3d: {  	s25 =	sadd.s32 $0x2000, s12;
	s28 =	smov.u32 s12;
	[sflag:s20] =	ssyncset.done $0x0  }
.LBB2_2:
0x3e: {  	s30 =	sshrl.u32 s30, $0x3  }
0x3f: {  	[sflag:s20] =	ssyncadd.s32 $0xFFFF8000;
	s31 =	smov.u32 s29;
	s1 =	sadd.s32 $0x200, s29  }
0x40: {  	[hbm4b:s28+s18] =	stream.strided.scatter [tilespmem:s16], [sflag:$0x4], $0x8000, s19, s18, $0x38;
	[tilespmem:$0x10400] =	vst v63  }
0x41: {  	p0 =	sne.s32 s29, $0x3000;
	s29 =	sadd.s32 s2, s30;
	s28 =	smov.u32 s25  }
0x42: {  	[tilespmem:s3], [sflag:$0x5] =	stream.linear.gather [hbm4b:s29+s3], $0x200, $0x38;
	[tilespmem:$0x10400] =	vst v63  }
0x43: {  	_ =	swait.ge [sflag:s14], $0x200  }
0x44: {  	[sflag:s14] =	ssyncset.done $0x0  }
0x45: {  	s29 =	sadd.s32 s30, s5;
	[sflag:s14] =	ssyncadd.s32 $0xFFFFFE00  }
0x46: {  	[tilespmem:s21], [sflag:$0x5] =	stream.linear.gather [hbm4b:s29+s3], $0x200, $0x38;
	[tilespmem:$0x10400] =	vst v63  }
0x47: {  	_ =	swait.ge [sflag:s14], $0x200  }
0x48: {  	[sflag:s14] =	ssyncset.done $0x0  }
0x49: {  	[sflag:s14] =	ssyncadd.s32 $0xFFFFFE00  }
0x4a: {  	_ =	swait.ge [sflag:s22], $0x8000  }
0x4b: {  	[sflag:s22] =	ssyncset.done $0x0  }
0x4c: {  	[sflag:s22] =	ssyncadd.s32 $0xFFFF8000  }
0x4d: {  	_ =	swait.ge [sflag:s23], $0x8000  }
0x4e: {  	[sflag:s23] =	ssyncset.done $0x0  }
0x4f: {  	[sflag:s23] =	ssyncadd.s32 $0xFFFF8000  }
0x50: {  	[tilespmem:s15], [sflag:$0x1] =	stream.indirect.gather [hbm4b:s4+s21], $0x40, s3, s21, $0xb8;
	[tilespmem:$0x10400] =	vst v63  }
0x51: {  	_ = 	snop  }
0x52: {  	[tilespmem:s16], [sflag:$0x2] =	stream.indirect.gather [hbm4b:s4+s21], $0x40, s21, s21, $0xb8;
	[tilespmem:$0x10400] =	vst v63  }
0x53: {  	s26 =	sadd.s32 $0x400, s26;
	_ =	swait.ge [sflag:s17], $0x8000  }
.Ltmp0:
0x54: {  	s30 =	sadd.s32 $0xFFFFFFF8, s25;
	[sflag:s17] =	ssyncset.done $0x0;
	(pc) =	sbr.rel @p0 .LBB2_2-.Ltmp0, $4  }
0x55: {  	s25 =	sadd.s32 $0x2000, s25;
	s29 =	sadd.s32 s31, s10;
	[sflag:s17] =	ssyncadd.s32 $0xFFFF8000  }
0x56: {  	[hbm4b:s30+s18] =	stream.strided.scatter [tilespmem:s15], [sflag:$0x3], $0x8000, s19, s18, $0x38;
	[tilespmem:$0x10400] =	vst v63  }
0x57: {  	s29 =	sand.u32 $0x1E00, s29;
	s30 =	sand.u32 $0x7FFFC000, s26;
	_ =	swait.ge [sflag:s20], $0x8000  }
0x58: {  	s30 =	sor.u32 s29, s30;
	s29 =	smov.u32 s1;
	[sflag:s20] =	ssyncset.done $0x0  }
0x59: {  	s1 =	sshrl.u32 s30, $0x3;
	[sflag:s20] =	ssyncadd.s32 $0xFFFF8000  }
0x5a: {  	[hbm4b:s28+s18] =	stream.strided.scatter [tilespmem:s16], [sflag:$0x4], $0x8000, s19, s18, $0x38;
	[tilespmem:$0x10400] =	vst v63  }
0x5b: {  	s26 =	sadd.s32 s2, s1  }
0x5c: {  	[tilespmem:s3], [sflag:$0x5] =	stream.linear.gather [hbm4b:s26+s3], $0x200, $0x38;
	[tilespmem:$0x10400] =	vst v63  }
0x5d: {  	_ =	swait.ge [sflag:s14], $0x200  }
0x5e: {  	[sflag:s14] =	ssyncset.done $0x0  }
0x5f: {  	s1 =	sadd.s32 s1, s5;
	[sflag:s14] =	ssyncadd.s32 $0xFFFFFE00  }
0x60: {  	[tilespmem:s21], [sflag:$0x5] =	stream.linear.gather [hbm4b:s1+s3], $0x200, $0x38;
	[tilespmem:$0x10400] =	vst v63  }
0x61: {  	_ =	swait.ge [sflag:s14], $0x200  }
0x62: {  	[sflag:s14] =	ssyncset.done $0x0  }
0x63: {  	[sflag:s14] =	ssyncadd.s32 $0xFFFFFE00  }
0x64: {  	_ =	swait.ge [sflag:s22], $0x8000  }
0x65: {  	[sflag:s22] =	ssyncset.done $0x0  }
0x66: {  	[sflag:s22] =	ssyncadd.s32 $0xFFFF8000  }
0x67: {  	_ =	swait.ge [sflag:s23], $0x8000  }
0x68: {  	[sflag:s23] =	ssyncset.done $0x0  }
0x69: {  	[sflag:s23] =	ssyncadd.s32 $0xFFFF8000  }
0x6a: {  	[tilespmem:s15], [sflag:$0x1] =	stream.indirect.gather [hbm4b:s4+s21], $0x40, s3, s21, $0xb8;
	[tilespmem:$0x10400] =	vst v63  }
0x6b: {  	_ = 	snop  }
0x6c: {  	[tilespmem:s16], [sflag:$0x2] =	stream.indirect.gather [hbm4b:s4+s21], $0x40, s21, s21, $0xb8;
	[tilespmem:$0x10400] =	vst v63  }
0x6d: {  	_ =	swait.ge [sflag:s17], $0x8000  }
0x6e: {  	[sflag:s17] =	ssyncset.done $0x0  }
0x6f: {  	s31 =	sadd.s32 $0xFFFFFFF8, s25;
	[sflag:s17] =	ssyncadd.s32 $0xFFFF8000  }
0x70: {  	[hbm4b:s31+s18] =	stream.strided.scatter [tilespmem:s15], [sflag:$0x3], $0x8000, s19, s18, $0x38;
	[tilespmem:$0x10400] =	vst v63  }
0x71: {  	_ =	swait.ge [sflag:s20], $0x8000  }
0x72: {  	[sflag:s20] =	ssyncset.done $0x0  }
0x73: {  	s24 =	sadd.s32 $0x1, s24;
	[sflag:s20] =	ssyncadd.s32 $0xFFFF8000  }
0x74: {  	[hbm4b:s25+s18] =	stream.strided.scatter [tilespmem:s16], [sflag:$0x4], $0x8000, s19, s18, $0x38;
	[tilespmem:$0x10400] =	vst v63  }
0x75: {  	p0 =	sne.s32 s24, s6;
	_ =	swait.ge [sflag:s22], $0x8000  }
.Ltmp1:
0x76: {  	[sflag:s22] =	ssyncset.done $0x0;
	(pc) =	sbr.rel @p0 .LBB2_1-.Ltmp1, $4  }
0x77: {  	[sflag:s22] =	ssyncadd.s32 $0xFFFF8000  }
0x78: {  	_ =	swait.ge [sflag:s23], $0x8000  }
0x79: {  	[sflag:s23] =	ssyncset.done $0x0  }
0x7a: {  	[sflag:s23] =	ssyncadd.s32 $0xFFFF8000  }
0x7b: {  	_ =	sfence.sel $0x180000  }
0x7c: {  	[bflag:$0x0] =	sbarrier.arrive $0xFFFF  }
0x7d: {  	_ =	strace $0x90000047  }
0x7e: {  	[bflag:$0x2] =	sbarrier.arrive $0xFFFF  }
0x7f: {  	p0 =	sne.s32 s0, $0x0;
	s0 =	rddreg [dreg:$0x2]  }
0x80: {  	s0 =	sadd.s32 @!p0 $0x100000, s0  }
0x81: {  	[sflag:s0] =	ssyncadd.tile.s32 @!p0 $0x1;
	_ =	shalt  }
.Lfunc_end2:
_tile_overlayer_lowered:
.L_overlay_start_2:
0x82: {  	(tag) =	ssettag $0x2  }
0x83: {  	s0 =	rddreg [dreg:$0x0];
	s2 =	stileid.u32  }
0x84: {  	s1 =	rddreg [dreg:$0x1];
	p0 =	sne.s32 s2, $0x0  }
0x85: {  	s3 =	rddreg [dreg:$0x2];
	[bflag:$0x3] =	sbarrier.arrive $0xFFFF;
	s2 =	simm.s32 @!p0 $0x1C05  }
0x86: {  	[timem:s3], [sflag:s2] =	dma.local @!p0 [hbm:s0], s1  }
0x87: {  	s0 =	simm.s32 @!p0 $0x5  }
0x88: {  	_ =	swait.ge @!p0 [sflag:s0], s1  }
0x89: {  	s1 =	ssub.s32 @!p0 $0x0, s1;
	[sflag:s0] =	ssyncset.done @!p0 $0x0  }
0x8a: {  	[sflag:s0] =	ssyncadd.s32 @!p0 s1  }
0x8b: {  	[bflag:$0x3] =	sbarrier.arrive $0xFFFF  }
0x8c: {  	_ =	shalt  }

</sc_bundles>
